<compile_context>
chip_gen: v7x
topology: tpu7x:2x2x1
jax: 0.10.2.dev20260603
libtpu: 0.0.44.dev20260713+nightly
codegen_flags: <defaults>
</compile_context>

<pallas_src>
import functools

import jax
import jax.numpy as jnp
from jax import lax
from jax.experimental import pallas as pl
from jax.experimental.pallas import tpu as pltpu
from jax.experimental.pallas import tpu_sc as plsc

N = 10000
E = 320000
D = 128

NC = 2
NS = 16
NW = NC * NS

EP = E // NW
C = 80
NCHUNK = EP // C
EPP = NCHUNK * C
CP = 80

HPAD = 10240
HP = HPAD // NS
NPAD = 10240
RP = NPAD // NS

_mesh = plsc.VectorSubcoreMesh(core_axis_name="c", subcore_axis_name="s")


def _zero_fill_1d(ref, n):
    z = jnp.zeros((16,), jnp.float32)

    def body(i, _):
        ref[pl.ds(i * 16, 16)] = z
        return 0

    lax.fori_loop(0, n // 16, body, 0)


@functools.partial(
    pl.kernel,
    mesh=_mesh,
    out_type=[jax.ShapeDtypeStruct((HPAD,), jnp.float32),
              jax.ShapeDtypeStruct((HPAD,), jnp.float32)],
    scratch_types=[
        pltpu.VMEM_SHARED((HPAD,), jnp.float32),
        pltpu.VMEM((NCHUNK, C), jnp.int32),
        pltpu.VMEM((C,), jnp.float32),
        pltpu.VMEM((HP,), jnp.float32),
        pltpu.SemaphoreType.DMA,
        pltpu.SemaphoreType.DMA,
    ],
)
def _deg_kernel(dst_hbm, out0_hbm, out1_hbm, hist_sp, didx_v, ones_v, stage_v,
                sem0, sem1):
    cid = lax.axis_index("c")
    sid = lax.axis_index("s")
    wid = cid * NS + sid

    pltpu.sync_copy(dst_hbm.at[wid], didx_v)
    _zero_fill_1d(stage_v, HP)
    one = jnp.ones((16,), jnp.float32)

    def fill_ones(i, _):
        ones_v[pl.ds(i * 16, 16)] = one
        return 0

    lax.fori_loop(0, C // 16, fill_ones, 0)

    pltpu.sync_copy(stage_v, hist_sp.at[pl.ds(sid * HP, HP)])
    plsc.subcore_barrier()

    sem = (sem0, sem1)

    def add_ones(k, s):
        pltpu.async_copy(ones_v, hist_sp.at[didx_v.at[k]], sem[s], add=True)

    def add_wait(s):
        pltpu.make_async_copy(ones_v, hist_sp.at[didx_v.at[0]], sem[s]).wait()

    def chunk_pair(i, _):
        @pl.when(i >= 1)
        def _():
            add_wait(0)
        add_ones(2 * i, 0)

        @pl.when(i >= 1)
        def _():
            add_wait(1)
        add_ones(2 * i + 1, 1)
        return 0

    lax.fori_loop(0, (NCHUNK - 1) // 2, chunk_pair, 0)
    add_wait(0)
    add_ones(NCHUNK - 1, 0)
    add_wait(0)
    add_wait(1)
    plsc.subcore_barrier()

    @pl.when(cid == 0)
    def _():
        pltpu.sync_copy(hist_sp.at[pl.ds(sid * HP, HP)],
                        out0_hbm.at[pl.ds(sid * HP, HP)])

    @pl.when(cid == 1)
    def _():
        pltpu.sync_copy(hist_sp.at[pl.ds(sid * HP, HP)],
                        out1_hbm.at[pl.ds(sid * HP, HP)])


@functools.partial(
    pl.kernel,
    mesh=_mesh,
    out_type=[jax.ShapeDtypeStruct((NPAD, D), jnp.float32),
              jax.ShapeDtypeStruct((NPAD, D), jnp.float32)],
    scratch_types=[
        pltpu.VMEM_SHARED((NPAD, D), jnp.float32),
        pltpu.VMEM((C, D), jnp.float32),
        pltpu.VMEM((C, D), jnp.float32),
        pltpu.VMEM((EPP,), jnp.int32),
        pltpu.VMEM((NCHUNK, C), jnp.int32),
        pltpu.SemaphoreType.DMA,
        pltpu.SemaphoreType.DMA,
        pltpu.SemaphoreType.DMA,
        pltpu.SemaphoreType.DMA,
    ],
)
def _scatter_kernel(y_hbm, src_hbm, dst_hbm, out0_hbm, out1_hbm,
                    accum_sp, rows0_v, rows1_v, sidx_v, didx_v,
                    gsem0, gsem1, ssem0, ssem1):
    cid = lax.axis_index("c")
    sid = lax.axis_index("s")
    wid = cid * NS + sid

    pltpu.sync_copy(src_hbm.at[wid], sidx_v)
    pltpu.sync_copy(dst_hbm.at[wid], didx_v)

    z = jnp.zeros((16,), jnp.float32)

    def zrow(i, _):
        rows0_v[i // (D // 16), pl.ds((i % (D // 16)) * 16, 16)] = z
        return 0

    lax.fori_loop(0, C * (D // 16), zrow, 0)
    for j in range(RP // CP):
        pltpu.sync_copy(rows0_v.at[pl.ds(0, CP)],
                        accum_sp.at[pl.ds(sid * RP + j * CP, CP)])
    plsc.subcore_barrier()

    rows = (rows0_v, rows1_v)
    gsem = (gsem0, gsem1)
    ssem = (ssem0, ssem1)

    def gather(k, buf):
        pltpu.async_copy(y_hbm.at[sidx_v.at[pl.ds(k * C, C)]], rows[buf],
                         gsem[buf])

    def gather_wait(k, buf):
        pltpu.make_async_copy(y_hbm.at[sidx_v.at[pl.ds(k * C, C)]], rows[buf],
                              gsem[buf]).wait()

    def scatter(k, buf):
        pltpu.sync_copy(rows[buf], accum_sp.at[didx_v.at[k]], add=True)

    del ssem

    gather(0, 0)
    gather(1, 1)

    def pair(i, _):
        k0 = 2 * i
        k1 = k0 + 1
        gather_wait(k0, 0)
        scatter(k0, 0)
        gather(k0 + 2, 0)
        gather_wait(k1, 1)
        scatter(k1, 1)

        @pl.when(k1 + 2 <= NCHUNK - 1)
        def _():
            gather(k1 + 2, 1)
        return 0

    lax.fori_loop(0, (NCHUNK - 1) // 2, pair, 0)
    gather_wait(NCHUNK - 1, 0)
    scatter(NCHUNK - 1, 0)
    plsc.subcore_barrier()

    r = sid * RP

    @pl.when(cid == 0)
    def _():
        pltpu.sync_copy(accum_sp.at[pl.ds(r, RP)], out0_hbm.at[pl.ds(r, RP)])

    @pl.when(cid == 1)
    def _():
        pltpu.sync_copy(accum_sp.at[pl.ds(r, RP)], out1_hbm.at[pl.ds(r, RP)])


BN = 400
GRID = N // BN


def _layer1_body(x_ref, w_ref, p0_ref, p1_ref, y_ref, dinv_ref):
    deg = p0_ref[...] + p1_ref[...] + 1.0
    dinv = lax.rsqrt(deg)
    z = x_ref[...] * dinv
    y_ref[...] = jnp.dot(z, w_ref[...], preferred_element_type=jnp.float32)
    dinv_ref[...] = dinv


def _layer1_tc(x, W1, p0, p1):
    return pl.pallas_call(
        _layer1_body,
        grid=(GRID,),
        in_specs=[
            pl.BlockSpec((BN, D), lambda i: (i, 0)),
            pl.BlockSpec((D, D), lambda i: (0, 0)),
            pl.BlockSpec((BN, 1), lambda i: (i, 0)),
            pl.BlockSpec((BN, 1), lambda i: (i, 0)),
        ],
        out_specs=[
            pl.BlockSpec((BN, D), lambda i: (i, 0)),
            pl.BlockSpec((BN, 1), lambda i: (i, 0)),
        ],
        out_shape=[
            jax.ShapeDtypeStruct((N, D), jnp.float32),
            jax.ShapeDtypeStruct((N, 1), jnp.float32),
        ],
    )(x, W1, p0, p1)


def _mid_body(s0_ref, s1_ref, y1_ref, dinv_ref, w_ref, b_ref, y2_ref):
    dinv = dinv_ref[...]
    t = dinv * (s0_ref[...] + s1_ref[...] + y1_ref[...]) + b_ref[...]
    h = jnp.maximum(t, 0.0)
    y2_ref[...] = dinv * jnp.dot(h, w_ref[...],
                                 preferred_element_type=jnp.float32)


def _mid_tc(s0, s1, y1, dinv, W2, b1):
    return pl.pallas_call(
        _mid_body,
        grid=(GRID,),
        in_specs=[
            pl.BlockSpec((BN, D), lambda i: (i, 0)),
            pl.BlockSpec((BN, D), lambda i: (i, 0)),
            pl.BlockSpec((BN, D), lambda i: (i, 0)),
            pl.BlockSpec((BN, 1), lambda i: (i, 0)),
            pl.BlockSpec((D, D), lambda i: (0, 0)),
            pl.BlockSpec((1, D), lambda i: (0, 0)),
        ],
        out_specs=pl.BlockSpec((BN, D), lambda i: (i, 0)),
        out_shape=jax.ShapeDtypeStruct((N, D), jnp.float32),
    )(s0, s1, y1, dinv, W2, b1)


def _final_body(s0_ref, s1_ref, y2_ref, dinv_ref, b_ref, o_ref):
    o_ref[...] = (dinv_ref[...] * (s0_ref[...] + s1_ref[...] + y2_ref[...])
                  + b_ref[...])


def _final_tc(s0, s1, y2, dinv, b2):
    return pl.pallas_call(
        _final_body,
        grid=(GRID,),
        in_specs=[
            pl.BlockSpec((BN, D), lambda i: (i, 0)),
            pl.BlockSpec((BN, D), lambda i: (i, 0)),
            pl.BlockSpec((BN, D), lambda i: (i, 0)),
            pl.BlockSpec((BN, 1), lambda i: (i, 0)),
            pl.BlockSpec((1, D), lambda i: (0, 0)),
        ],
        out_specs=pl.BlockSpec((BN, D), lambda i: (i, 0)),
        out_shape=jax.ShapeDtypeStruct((N, D), jnp.float32),
    )(s0, s1, y2, dinv, b2)


def kernel(x, edge_index, W1, b1, W2, b2):
    src = edge_index[0]
    dst = edge_index[1]
    src2 = src.reshape(NW, EP)
    dst3 = dst.reshape(NW, NCHUNK, C)

    h0, h1 = _deg_kernel(dst3)
    y1, dinv = _layer1_tc(x, W1, h0.reshape(HPAD, 1), h1.reshape(HPAD, 1))

    s10, s11 = _scatter_kernel(y1, src2, dst3)
    y2 = _mid_tc(s10, s11, y1, dinv, W2, b1.reshape(1, D))

    s20, s21 = _scatter_kernel(y2, src2, dst3)
    out = _final_tc(s20, s21, y2, dinv, b2.reshape(1, D))
    return out

# --- scband reference (transcript-rebuilt; emitter-appended) ---
"""Pipeline reference for scband-gnnencoder-34041910788098 (READ-ONLY COPY).

The authoritative reference and input builder live on the scoring server;
editing this copy changes nothing except your own understanding.
"""

import jax, jax.numpy as jnp
import numpy as np

N = 10000
E = 320000
D = 128


def setup_inputs(seed: int = 0) -> dict:
    key = jax.random.key(seed)
    k1, k2, k3, k4, k5, k6 = jax.random.split(key, 6)
    x = jax.random.normal(k1, (N, D), dtype=jnp.float32)
    edge_index = jax.random.randint(k2, (2, E), 0, N, dtype=jnp.int32)
    scale = 1.0 / np.sqrt(D)
    W1 = jax.random.uniform(k3, (D, D), dtype=jnp.float32, minval=-scale, maxval=scale)
    b1 = jnp.zeros((D,), dtype=jnp.float32)
    W2 = jax.random.uniform(k4, (D, D), dtype=jnp.float32, minval=-scale, maxval=scale)
    b2 = jnp.zeros((D,), dtype=jnp.float32)
    return {"x": x, "edge_index": edge_index, "W1": W1, "b1": b1, "W2": W2, "b2": b2}


def _gcn_conv(x, src, dst, W, b):
    # GCNConv: x' = D^{-1/2} (A + I) D^{-1/2} X W + b
    n = x.shape[0]
    loop = jnp.arange(n, dtype=src.dtype)
    src_l = jnp.concatenate([src, loop])
    dst_l = jnp.concatenate([dst, loop])
    deg = jax.ops.segment_sum(jnp.ones_like(src_l, dtype=x.dtype), dst_l, num_segments=n)
    dinv = jnp.where(deg > 0, jax.lax.rsqrt(jnp.maximum(deg, 1e-12)), 0.0)
    norm = dinv[src_l] * dinv[dst_l]
    xw = x @ W
    msg = xw[src_l] * norm[:, None]
    out = jax.ops.segment_sum(msg, dst_l, num_segments=n)
    return out + b


def reference(x, edge_index, W1, b1, W2, b2):
    src = edge_index[0]
    dst = edge_index[1]
    h = _gcn_conv(x, src, dst, W1, b1)
    h = jax.nn.relu(h)
    out = _gcn_conv(h, src, dst, W2, b2)
    return out

if __name__ == "__main__":
    import jax
    _d = setup_inputs()
    print(jax.jit(kernel)(*tuple(_d.values())))

</pallas_src>

<mosaic_0001>
#map = affine_map<(d0, d1) -> (0, 0)>
#map1 = affine_map<(d0, d1) -> (0, 0, 0)>
module attributes {stable_mosaic.version = 14 : i64} {
  func.func @_scatter_kernel(%arg0: i32, %arg1: i32, %arg2: memref<10000x128xf32, #tpu.memory_space<hbm>>, %arg3: memref<32x10000xi32, #tpu.memory_space<hbm>>, %arg4: memref<32x125x80xi32, #tpu.memory_space<hbm>>, %arg5: memref<10240x128xf32, #tpu.memory_space<hbm>>, %arg6: memref<10240x128xf32, #tpu.memory_space<hbm>>, %arg7: memref<10240x128xf32, #tpu.memory_space<vmem_shared>>, %arg8: memref<80x128xf32, #tpu.memory_space<vmem>>, %arg9: memref<80x128xf32, #tpu.memory_space<vmem>>, %arg10: memref<10000xi32, #tpu.memory_space<vmem>>, %arg11: memref<125x80xi32, #tpu.memory_space<vmem>>, %arg12: memref<!tpu.dma_semaphore, #tpu.memory_space<semaphore_mem>>, %arg13: memref<!tpu.dma_semaphore, #tpu.memory_space<semaphore_mem>>, %arg14: memref<!tpu.dma_semaphore, #tpu.memory_space<semaphore_mem>>, %arg15: memref<!tpu.dma_semaphore, #tpu.memory_space<semaphore_mem>>) attributes {dimension_semantics = [#tpu.dimension_semantics<core_parallel>, #tpu.dimension_semantics<subcore_parallel>], iteration_bounds = array<i64: 2, 16>, scalar_prefetch = 0 : i64, scratch_operands = 9 : i64, tpu.core_type = #tpu.core_type<sc_vector_subcore>, window_params = [{transform_indices = #map}, {transform_indices = #map}, {transform_indices = #map1}, {transform_indices = #map}, {transform_indices = #map}]} {
    %mul3A = arith.constant 16 : i32
    %mul3A_0 = arith.muli %arg0, %mul3A : i32
    %add3A = arith.addi %mul3A_0, %arg1 : i32
    "tpu.region"() ({
      %run_scoped3A_70 = tpu.sem_alloc : memref<!tpu.dma_semaphore, #tpu.memory_space<semaphore_mem>>
      %dma_start3A_71 = arith.constant 0 : i32
      %dma_start3A_72 = tpu.memref_slice %arg3[%add3A, %dma_start3A_71] : memref<32x10000xi32, #tpu.memory_space<hbm>> -> memref<1x10000xi32, #tpu.memory_space<hbm>>
      %dma_start3A_73 = tpu.memref_squeeze %dma_start3A_72 : memref<1x10000xi32, #tpu.memory_space<hbm>> -> memref<10000xi32, #tpu.memory_space<hbm>>
      %dma_start3A_74 = arith.constant 0 : i32
      %dma_start3A_75 = tpu.memref_slice %arg3[%add3A, %dma_start3A_74] : memref<32x10000xi32, #tpu.memory_space<hbm>> -> memref<1x10000xi32, #tpu.memory_space<hbm>>
      %dma_start3A_76 = tpu.memref_squeeze %dma_start3A_75 : memref<1x10000xi32, #tpu.memory_space<hbm>> -> memref<10000xi32, #tpu.memory_space<hbm>>
      tpu.enqueue_dma source(%dma_start3A_76 : memref<10000xi32, #tpu.memory_space<hbm>>) target(%arg10 : memref<10000xi32, #tpu.memory_space<vmem>>) target_semaphore(%run_scoped3A_70 : memref<!tpu.dma_semaphore, #tpu.memory_space<semaphore_mem>>)
      %dma_wait3A_77 = arith.constant 0 : i32
      %dma_wait3A_78 = tpu.memref_slice %arg3[%add3A, %dma_wait3A_77] : memref<32x10000xi32, #tpu.memory_space<hbm>> -> memref<1x10000xi32, #tpu.memory_space<hbm>>
      %dma_wait3A_79 = tpu.memref_squeeze %dma_wait3A_78 : memref<1x10000xi32, #tpu.memory_space<hbm>> -> memref<10000xi32, #tpu.memory_space<hbm>>
      %dma_wait3A_80 = arith.constant 0 : i32
      %dma_wait3A_81 = tpu.memref_slice %arg3[%add3A, %dma_wait3A_80] : memref<32x10000xi32, #tpu.memory_space<hbm>> -> memref<1x10000xi32, #tpu.memory_space<hbm>>
      %dma_wait3A_82 = tpu.memref_squeeze %dma_wait3A_81 : memref<1x10000xi32, #tpu.memory_space<hbm>> -> memref<10000xi32, #tpu.memory_space<hbm>>
      tpu.wait_dma2 semaphore(%run_scoped3A_70 : memref<!tpu.dma_semaphore, #tpu.memory_space<semaphore_mem>>) src(%dma_wait3A_82 : memref<10000xi32, #tpu.memory_space<hbm>>) dst(%arg10 : memref<10000xi32, #tpu.memory_space<vmem>>)
      tpu.yield
    }) : () -> ()
    "tpu.region"() ({
      %run_scoped3A_70 = tpu.sem_alloc : memref<!tpu.dma_semaphore, #tpu.memory_space<semaphore_mem>>
      %dma_start3A_71 = arith.constant 0 : i32
      %dma_start3A_72 = arith.constant 0 : i32
      %dma_start3A_73 = tpu.memref_slice %arg4[%add3A, %dma_start3A_71, %dma_start3A_72] : memref<32x125x80xi32, #tpu.memory_space<hbm>> -> memref<1x125x80xi32, #tpu.memory_space<hbm>>
      %dma_start3A_74 = tpu.memref_squeeze %dma_start3A_73 : memref<1x125x80xi32, #tpu.memory_space<hbm>> -> memref<125x80xi32, #tpu.memory_space<hbm>>
      %dma_start3A_75 = arith.constant 0 : i32
      %dma_start3A_76 = arith.constant 0 : i32
      %dma_start3A_77 = tpu.memref_slice %arg4[%add3A, %dma_start3A_75, %dma_start3A_76] : memref<32x125x80xi32, #tpu.memory_space<hbm>> -> memref<1x125x80xi32, #tpu.memory_space<hbm>>
      %dma_start3A_78 = tpu.memref_squeeze %dma_start3A_77 : memref<1x125x80xi32, #tpu.memory_space<hbm>> -> memref<125x80xi32, #tpu.memory_space<hbm>>
      tpu.enqueue_dma source(%dma_start3A_78 : memref<125x80xi32, #tpu.memory_space<hbm>>) target(%arg11 : memref<125x80xi32, #tpu.memory_space<vmem>>) target_semaphore(%run_scoped3A_70 : memref<!tpu.dma_semaphore, #tpu.memory_space<semaphore_mem>>)
      %dma_wait3A_79 = arith.constant 0 : i32
      %dma_wait3A_80 = arith.constant 0 : i32
      %dma_wait3A_81 = tpu.memref_slice %arg4[%add3A, %dma_wait3A_79, %dma_wait3A_80] : memref<32x125x80xi32, #tpu.memory_space<hbm>> -> memref<1x125x80xi32, #tpu.memory_space<hbm>>
      %dma_wait3A_82 = tpu.memref_squeeze %dma_wait3A_81 : memref<1x125x80xi32, #tpu.memory_space<hbm>> -> memref<125x80xi32, #tpu.memory_space<hbm>>
      %dma_wait3A_83 = arith.constant 0 : i32
      %dma_wait3A_84 = arith.constant 0 : i32
      %dma_wait3A_85 = tpu.memref_slice %arg4[%add3A, %dma_wait3A_83, %dma_wait3A_84] : memref<32x125x80xi32, #tpu.memory_space<hbm>> -> memref<1x125x80xi32, #tpu.memory_space<hbm>>
      %dma_wait3A_86 = tpu.memref_squeeze %dma_wait3A_85 : memref<1x125x80xi32, #tpu.memory_space<hbm>> -> memref<125x80xi32, #tpu.memory_space<hbm>>
      tpu.wait_dma2 semaphore(%run_scoped3A_70 : memref<!tpu.dma_semaphore, #tpu.memory_space<semaphore_mem>>) src(%dma_wait3A_86 : memref<125x80xi32, #tpu.memory_space<hbm>>) dst(%arg11 : memref<125x80xi32, #tpu.memory_space<vmem>>)
      tpu.yield
    }) : () -> ()
    %broadcast_in_dim3A = arith.constant 0.000000e+00 : f32
    %broadcast_in_dim3A_1 = vector.broadcast %broadcast_in_dim3A : f32 to vector<16xf32>
    %scan3A = arith.constant 0 : i32
    %scan3A_2 = arith.constant 0 : i32
    %scan3A_3 = arith.constant 640 : i32
    %scan3A_4 = arith.addi %scan3A_2, %scan3A_3 : i32
    %scan3A_5 = arith.constant 1 : i32
    %scan3A_6 = scf.for %scan3A_70 = %scan3A_2 to %scan3A_4 step %scan3A_5 iter_args(%scan3A_71 = %scan3A) -> (i32)  : i32 {
      %jit3A = arith.constant 8 : i32
      %div3A = arith.divsi %scan3A_70, %jit3A : i32
      %sign3A = arith.constant 0 : i32
      %sign3A_72 = arith.cmpi sgt, %scan3A_70, %sign3A : i32
      %sign3A_73 = arith.extui %sign3A_72 : i1 to i32
      %sign3A_74 = arith.constant 0 : i32
      %sign3A_75 = arith.cmpi slt, %scan3A_70, %sign3A_74 : i32
      %sign3A_76 = arith.extui %sign3A_75 : i1 to i32
      %sign3A_77 = arith.subi %sign3A_73, %sign3A_76 : i32
      %sign3A_78 = arith.constant 0 : i32
      %sign3A_79 = arith.cmpi sgt, %jit3A, %sign3A_78 : i32
      %sign3A_80 = arith.extui %sign3A_79 : i1 to i32
      %sign3A_81 = arith.constant 0 : i32
      %sign3A_82 = arith.cmpi slt, %jit3A, %sign3A_81 : i32
      %sign3A_83 = arith.extui %sign3A_82 : i1 to i32
      %sign3A_84 = arith.subi %sign3A_80, %sign3A_83 : i32
      %ne3A = arith.cmpi ne, %sign3A_77, %sign3A_84 : i32
      %rem3A = arith.remsi %scan3A_70, %jit3A : i32
      %ne3A_85 = arith.constant 0 : i32
      %ne3A_86 = arith.cmpi ne, %rem3A, %ne3A_85 : i32
      %and3A = arith.andi %ne3A, %ne3A_86 : i1
      %sub3A = arith.constant 1 : i32
      %sub3A_87 = arith.subi %div3A, %sub3A : i32
      %select_n3A = arith.select %and3A, %sub3A_87, %div3A : i32
      %jit3A_88 = arith.constant 8 : i32
      %eq3A_89 = arith.constant 0 : i32
      %eq3A_90 = arith.cmpi eq, %jit3A_88, %eq3A_89 : i32
      %jit3A_91 = arith.constant 1 : i32
      %select_n3A_92 = arith.select %eq3A_90, %jit3A_91, %jit3A_88 : i32
      %rem3A_93 = arith.remsi %scan3A_70, %select_n3A_92 : i32
      %ne3A_94 = arith.constant 0 : i32
      %ne3A_95 = arith.cmpi ne, %rem3A_93, %ne3A_94 : i32
      %lt3A = arith.constant 0 : i32
      %lt3A_96 = arith.cmpi slt, %rem3A_93, %lt3A : i32
      %lt3A_97 = arith.constant 0 : i32
      %lt3A_98 = arith.cmpi slt, %select_n3A_92, %lt3A_97 : i32
      %ne3A_99 = arith.xori %lt3A_96, %lt3A_98 : i1
      %and3A_100 = arith.andi %ne3A_99, %ne3A_95 : i1
      %add3A_101 = arith.addi %rem3A_93, %select_n3A_92 : i32
      %select_n3A_102 = arith.select %and3A_100, %add3A_101, %rem3A_93 : i32
      %mul3A_103 = arith.constant 16 : i32
      %mul3A_104 = arith.muli %select_n3A_102, %mul3A_103 : i32
      %swap3A = arith.index_cast %select_n3A : i32 to index
      %swap3A_105 = arith.index_cast %mul3A_104 : i32 to index
      %swap3A_106 = tpu.vector_load %arg8[%swap3A, %swap3A_105] {strides = array<i32>} : memref<80x128xf32, #tpu.memory_space<vmem>>, vector<1x16xf32>,
      %swap3A_107 = vector.shape_cast %swap3A_106 : vector<1x16xf32> to vector<16xf32>
      %swap3A_108 = vector.shape_cast %broadcast_in_dim3A_1 : vector<16xf32> to vector<1x16xf32>
      tpu.vector_store %arg8[%swap3A, %swap3A_105], %swap3A_108 {strides = array<i32>} : memref<80x128xf32, #tpu.memory_space<vmem>>, vector<1x16xf32>,
      %scan3A_109 = arith.constant 0 : i32
      scf.yield %scan3A_109 : i32
    }
    %scan3A_7 = arith.constant 640 : i32
    %mul3A_8 = arith.constant 640 : i32
    %mul3A_9 = arith.muli %arg1, %mul3A_8 : i32
    %add3A_10 = arith.constant 0 : i32
    %add3A_11 = arith.addi %mul3A_9, %add3A_10 : i32
    "tpu.region"() ({
      %run_scoped3A_70 = tpu.sem_alloc : memref<!tpu.dma_semaphore, #tpu.memory_space<semaphore_mem>>
      %dma_start3A_71 = arith.constant 0 : i32
      %dma_start3A_72 = arith.constant 0 : i32
      %dma_start3A_73 = tpu.memref_slice %arg8[%dma_start3A_71, %dma_start3A_72] : memref<80x128xf32, #tpu.memory_space<vmem>> -> memref<80x128xf32, #tpu.memory_space<vmem>>
      %dma_start3A_74 = arith.constant 0 : i32
      %dma_start3A_75 = tpu.memref_slice %arg7[%add3A_11, %dma_start3A_74] : memref<10240x128xf32, #tpu.memory_space<vmem_shared>> -> memref<80x128xf32, #tpu.memory_space<vmem_shared>>
      %dma_start3A_76 = arith.constant 0 : i32
      %dma_start3A_77 = tpu.memref_slice %arg7[%add3A_11, %dma_start3A_76] : memref<10240x128xf32, #tpu.memory_space<vmem_shared>> -> memref<80x128xf32, #tpu.memory_space<vmem_shared>>
      %dma_start3A_78 = arith.constant 0 : i32
      %dma_start3A_79 = arith.constant 0 : i32
      %dma_start3A_80 = tpu.memref_slice %arg8[%dma_start3A_78, %dma_start3A_79] : memref<80x128xf32, #tpu.memory_space<vmem>> -> memref<80x128xf32, #tpu.memory_space<vmem>>
      tpu.enqueue_dma source(%dma_start3A_80 : memref<80x128xf32, #tpu.memory_space<vmem>>) target(%dma_start3A_77 : memref<80x128xf32, #tpu.memory_space<vmem_shared>>) target_semaphore(%run_scoped3A_70 : memref<!tpu.dma_semaphore, #tpu.memory_space<semaphore_mem>>)
      %dma_wait3A_81 = arith.constant 0 : i32
      %dma_wait3A_82 = arith.constant 0 : i32
      %dma_wait3A_83 = tpu.memref_slice %arg8[%dma_wait3A_81, %dma_wait3A_82] : memref<80x128xf32, #tpu.memory_space<vmem>> -> memref<80x128xf32, #tpu.memory_space<vmem>>
      %dma_wait3A_84 = arith.constant 0 : i32
      %dma_wait3A_85 = tpu.memref_slice %arg7[%add3A_11, %dma_wait3A_84] : memref<10240x128xf32, #tpu.memory_space<vmem_shared>> -> memref<80x128xf32, #tpu.memory_space<vmem_shared>>
      %dma_wait3A_86 = arith.constant 0 : i32
      %dma_wait3A_87 = tpu.memref_slice %arg7[%add3A_11, %dma_wait3A_86] : memref<10240x128xf32, #tpu.memory_space<vmem_shared>> -> memref<80x128xf32, #tpu.memory_space<vmem_shared>>
      %dma_wait3A_88 = arith.constant 0 : i32
      %dma_wait3A_89 = arith.constant 0 : i32
      %dma_wait3A_90 = tpu.memref_slice %arg8[%dma_wait3A_88, %dma_wait3A_89] : memref<80x128xf32, #tpu.memory_space<vmem>> -> memref<80x128xf32, #tpu.memory_space<vmem>>
      tpu.wait_dma2 semaphore(%run_scoped3A_70 : memref<!tpu.dma_semaphore, #tpu.memory_space<semaphore_mem>>) src(%dma_wait3A_90 : memref<80x128xf32, #tpu.memory_space<vmem>>) dst(%dma_wait3A_87 : memref<80x128xf32, #tpu.memory_space<vmem_shared>>)
      tpu.yield
    }) : () -> ()
    %mul3A_12 = arith.constant 640 : i32
    %mul3A_13 = arith.muli %arg1, %mul3A_12 : i32
    %add3A_14 = arith.constant 80 : i32
    %add3A_15 = arith.addi %mul3A_13, %add3A_14 : i32
    "tpu.region"() ({
      %run_scoped3A_70 = tpu.sem_alloc : memref<!tpu.dma_semaphore, #tpu.memory_space<semaphore_mem>>
      %dma_start3A_71 = arith.constant 0 : i32
      %dma_start3A_72 = arith.constant 0 : i32
      %dma_start3A_73 = tpu.memref_slice %arg8[%dma_start3A_71, %dma_start3A_72] : memref<80x128xf32, #tpu.memory_space<vmem>> -> memref<80x128xf32, #tpu.memory_space<vmem>>
      %dma_start3A_74 = arith.constant 0 : i32
      %dma_start3A_75 = tpu.memref_slice %arg7[%add3A_15, %dma_start3A_74] : memref<10240x128xf32, #tpu.memory_space<vmem_shared>> -> memref<80x128xf32, #tpu.memory_space<vmem_shared>>
      %dma_start3A_76 = arith.constant 0 : i32
      %dma_start3A_77 = tpu.memref_slice %arg7[%add3A_15, %dma_start3A_76] : memref<10240x128xf32, #tpu.memory_space<vmem_shared>> -> memref<80x128xf32, #tpu.memory_space<vmem_shared>>
      %dma_start3A_78 = arith.constant 0 : i32
      %dma_start3A_79 = arith.constant 0 : i32
      %dma_start3A_80 = tpu.memref_slice %arg8[%dma_start3A_78, %dma_start3A_79] : memref<80x128xf32, #tpu.memory_space<vmem>> -> memref<80x128xf32, #tpu.memory_space<vmem>>
      tpu.enqueue_dma source(%dma_start3A_80 : memref<80x128xf32, #tpu.memory_space<vmem>>) target(%dma_start3A_77 : memref<80x128xf32, #tpu.memory_space<vmem_shared>>) target_semaphore(%run_scoped3A_70 : memref<!tpu.dma_semaphore, #tpu.memory_space<semaphore_mem>>)
      %dma_wait3A_81 = arith.constant 0 : i32
      %dma_wait3A_82 = arith.constant 0 : i32
      %dma_wait3A_83 = tpu.memref_slice %arg8[%dma_wait3A_81, %dma_wait3A_82] : memref<80x128xf32, #tpu.memory_space<vmem>> -> memref<80x128xf32, #tpu.memory_space<vmem>>
      %dma_wait3A_84 = arith.constant 0 : i32
      %dma_wait3A_85 = tpu.memref_slice %arg7[%add3A_15, %dma_wait3A_84] : memref<10240x128xf32, #tpu.memory_space<vmem_shared>> -> memref<80x128xf32, #tpu.memory_space<vmem_shared>>
      %dma_wait3A_86 = arith.constant 0 : i32
      %dma_wait3A_87 = tpu.memref_slice %arg7[%add3A_15, %dma_wait3A_86] : memref<10240x128xf32, #tpu.memory_space<vmem_shared>> -> memref<80x128xf32, #tpu.memory_space<vmem_shared>>
      %dma_wait3A_88 = arith.constant 0 : i32
      %dma_wait3A_89 = arith.constant 0 : i32
      %dma_wait3A_90 = tpu.memref_slice %arg8[%dma_wait3A_88, %dma_wait3A_89] : memref<80x128xf32, #tpu.memory_space<vmem>> -> memref<80x128xf32, #tpu.memory_space<vmem>>
      tpu.wait_dma2 semaphore(%run_scoped3A_70 : memref<!tpu.dma_semaphore, #tpu.memory_space<semaphore_mem>>) src(%dma_wait3A_90 : memref<80x128xf32, #tpu.memory_space<vmem>>) dst(%dma_wait3A_87 : memref<80x128xf32, #tpu.memory_space<vmem_shared>>)
      tpu.yield
    }) : () -> ()
    %mul3A_16 = arith.constant 640 : i32
    %mul3A_17 = arith.muli %arg1, %mul3A_16 : i32
    %add3A_18 = arith.constant 160 : i32
    %add3A_19 = arith.addi %mul3A_17, %add3A_18 : i32
    "tpu.region"() ({
      %run_scoped3A_70 = tpu.sem_alloc : memref<!tpu.dma_semaphore, #tpu.memory_space<semaphore_mem>>
      %dma_start3A_71 = arith.constant 0 : i32
      %dma_start3A_72 = arith.constant 0 : i32
      %dma_start3A_73 = tpu.memref_slice %arg8[%dma_start3A_71, %dma_start3A_72] : memref<80x128xf32, #tpu.memory_space<vmem>> -> memref<80x128xf32, #tpu.memory_space<vmem>>
      %dma_start3A_74 = arith.constant 0 : i32
      %dma_start3A_75 = tpu.memref_slice %arg7[%add3A_19, %dma_start3A_74] : memref<10240x128xf32, #tpu.memory_space<vmem_shared>> -> memref<80x128xf32, #tpu.memory_space<vmem_shared>>
      %dma_start3A_76 = arith.constant 0 : i32
      %dma_start3A_77 = tpu.memref_slice %arg7[%add3A_19, %dma_start3A_76] : memref<10240x128xf32, #tpu.memory_space<vmem_shared>> -> memref<80x128xf32, #tpu.memory_space<vmem_shared>>
      %dma_start3A_78 = arith.constant 0 : i32
      %dma_start3A_79 = arith.constant 0 : i32
      %dma_start3A_80 = tpu.memref_slice %arg8[%dma_start3A_78, %dma_start3A_79] : memref<80x128xf32, #tpu.memory_space<vmem>> -> memref<80x128xf32, #tpu.memory_space<vmem>>
      tpu.enqueue_dma source(%dma_start3A_80 : memref<80x128xf32, #tpu.memory_space<vmem>>) target(%dma_start3A_77 : memref<80x128xf32, #tpu.memory_space<vmem_shared>>) target_semaphore(%run_scoped3A_70 : memref<!tpu.dma_semaphore, #tpu.memory_space<semaphore_mem>>)
      %dma_wait3A_81 = arith.constant 0 : i32
      %dma_wait3A_82 = arith.constant 0 : i32
      %dma_wait3A_83 = tpu.memref_slice %arg8[%dma_wait3A_81, %dma_wait3A_82] : memref<80x128xf32, #tpu.memory_space<vmem>> -> memref<80x128xf32, #tpu.memory_space<vmem>>
      %dma_wait3A_84 = arith.constant 0 : i32
      %dma_wait3A_85 = tpu.memref_slice %arg7[%add3A_19, %dma_wait3A_84] : memref<10240x128xf32, #tpu.memory_space<vmem_shared>> -> memref<80x128xf32, #tpu.memory_space<vmem_shared>>
      %dma_wait3A_86 = arith.constant 0 : i32
      %dma_wait3A_87 = tpu.memref_slice %arg7[%add3A_19, %dma_wait3A_86] : memref<10240x128xf32, #tpu.memory_space<vmem_shared>> -> memref<80x128xf32, #tpu.memory_space<vmem_shared>>
      %dma_wait3A_88 = arith.constant 0 : i32
      %dma_wait3A_89 = arith.constant 0 : i32
      %dma_wait3A_90 = tpu.memref_slice %arg8[%dma_wait3A_88, %dma_wait3A_89] : memref<80x128xf32, #tpu.memory_space<vmem>> -> memref<80x128xf32, #tpu.memory_space<vmem>>
      tpu.wait_dma2 semaphore(%run_scoped3A_70 : memref<!tpu.dma_semaphore, #tpu.memory_space<semaphore_mem>>) src(%dma_wait3A_90 : memref<80x128xf32, #tpu.memory_space<vmem>>) dst(%dma_wait3A_87 : memref<80x128xf32, #tpu.memory_space<vmem_shared>>)
      tpu.yield
    }) : () -> ()
    %mul3A_20 = arith.constant 640 : i32
    %mul3A_21 = arith.muli %arg1, %mul3A_20 : i32
    %add3A_22 = arith.constant 240 : i32
    %add3A_23 = arith.addi %mul3A_21, %add3A_22 : i32
    "tpu.region"() ({
      %run_scoped3A_70 = tpu.sem_alloc : memref<!tpu.dma_semaphore, #tpu.memory_space<semaphore_mem>>
      %dma_start3A_71 = arith.constant 0 : i32
      %dma_start3A_72 = arith.constant 0 : i32
      %dma_start3A_73 = tpu.memref_slice %arg8[%dma_start3A_71, %dma_start3A_72] : memref<80x128xf32, #tpu.memory_space<vmem>> -> memref<80x128xf32, #tpu.memory_space<vmem>>
      %dma_start3A_74 = arith.constant 0 : i32
      %dma_start3A_75 = tpu.memref_slice %arg7[%add3A_23, %dma_start3A_74] : memref<10240x128xf32, #tpu.memory_space<vmem_shared>> -> memref<80x128xf32, #tpu.memory_space<vmem_shared>>
      %dma_start3A_76 = arith.constant 0 : i32
      %dma_start3A_77 = tpu.memref_slice %arg7[%add3A_23, %dma_start3A_76] : memref<10240x128xf32, #tpu.memory_space<vmem_shared>> -> memref<80x128xf32, #tpu.memory_space<vmem_shared>>
      %dma_start3A_78 = arith.constant 0 : i32
      %dma_start3A_79 = arith.constant 0 : i32
      %dma_start3A_80 = tpu.memref_slice %arg8[%dma_start3A_78, %dma_start3A_79] : memref<80x128xf32, #tpu.memory_space<vmem>> -> memref<80x128xf32, #tpu.memory_space<vmem>>
      tpu.enqueue_dma source(%dma_start3A_80 : memref<80x128xf32, #tpu.memory_space<vmem>>) target(%dma_start3A_77 : memref<80x128xf32, #tpu.memory_space<vmem_shared>>) target_semaphore(%run_scoped3A_70 : memref<!tpu.dma_semaphore, #tpu.memory_space<semaphore_mem>>)
      %dma_wait3A_81 = arith.constant 0 : i32
      %dma_wait3A_82 = arith.constant 0 : i32
      %dma_wait3A_83 = tpu.memref_slice %arg8[%dma_wait3A_81, %dma_wait3A_82] : memref<80x128xf32, #tpu.memory_space<vmem>> -> memref<80x128xf32, #tpu.memory_space<vmem>>
      %dma_wait3A_84 = arith.constant 0 : i32
      %dma_wait3A_85 = tpu.memref_slice %arg7[%add3A_23, %dma_wait3A_84] : memref<10240x128xf32, #tpu.memory_space<vmem_shared>> -> memref<80x128xf32, #tpu.memory_space<vmem_shared>>
      %dma_wait3A_86 = arith.constant 0 : i32
      %dma_wait3A_87 = tpu.memref_slice %arg7[%add3A_23, %dma_wait3A_86] : memref<10240x128xf32, #tpu.memory_space<vmem_shared>> -> memref<80x128xf32, #tpu.memory_space<vmem_shared>>
      %dma_wait3A_88 = arith.constant 0 : i32
      %dma_wait3A_89 = arith.constant 0 : i32
      %dma_wait3A_90 = tpu.memref_slice %arg8[%dma_wait3A_88, %dma_wait3A_89] : memref<80x128xf32, #tpu.memory_space<vmem>> -> memref<80x128xf32, #tpu.memory_space<vmem>>
      tpu.wait_dma2 semaphore(%run_scoped3A_70 : memref<!tpu.dma_semaphore, #tpu.memory_space<semaphore_mem>>) src(%dma_wait3A_90 : memref<80x128xf32, #tpu.memory_space<vmem>>) dst(%dma_wait3A_87 : memref<80x128xf32, #tpu.memory_space<vmem_shared>>)
      tpu.yield
    }) : () -> ()
    %mul3A_24 = arith.constant 640 : i32
    %mul3A_25 = arith.muli %arg1, %mul3A_24 : i32
    %add3A_26 = arith.constant 320 : i32
    %add3A_27 = arith.addi %mul3A_25, %add3A_26 : i32
    "tpu.region"() ({
      %run_scoped3A_70 = tpu.sem_alloc : memref<!tpu.dma_semaphore, #tpu.memory_space<semaphore_mem>>
      %dma_start3A_71 = arith.constant 0 : i32
      %dma_start3A_72 = arith.constant 0 : i32
      %dma_start3A_73 = tpu.memref_slice %arg8[%dma_start3A_71, %dma_start3A_72] : memref<80x128xf32, #tpu.memory_space<vmem>> -> memref<80x128xf32, #tpu.memory_space<vmem>>
      %dma_start3A_74 = arith.constant 0 : i32
      %dma_start3A_75 = tpu.memref_slice %arg7[%add3A_27, %dma_start3A_74] : memref<10240x128xf32, #tpu.memory_space<vmem_shared>> -> memref<80x128xf32, #tpu.memory_space<vmem_shared>>
      %dma_start3A_76 = arith.constant 0 : i32
      %dma_start3A_77 = tpu.memref_slice %arg7[%add3A_27, %dma_start3A_76] : memref<10240x128xf32, #tpu.memory_space<vmem_shared>> -> memref<80x128xf32, #tpu.memory_space<vmem_shared>>
      %dma_start3A_78 = arith.constant 0 : i32
      %dma_start3A_79 = arith.constant 0 : i32
      %dma_start3A_80 = tpu.memref_slice %arg8[%dma_start3A_78, %dma_start3A_79] : memref<80x128xf32, #tpu.memory_space<vmem>> -> memref<80x128xf32, #tpu.memory_space<vmem>>
      tpu.enqueue_dma source(%dma_start3A_80 : memref<80x128xf32, #tpu.memory_space<vmem>>) target(%dma_start3A_77 : memref<80x128xf32, #tpu.memory_space<vmem_shared>>) target_semaphore(%run_scoped3A_70 : memref<!tpu.dma_semaphore, #tpu.memory_space<semaphore_mem>>)
      %dma_wait3A_81 = arith.constant 0 : i32
      %dma_wait3A_82 = arith.constant 0 : i32
      %dma_wait3A_83 = tpu.memref_slice %arg8[%dma_wait3A_81, %dma_wait3A_82] : memref<80x128xf32, #tpu.memory_space<vmem>> -> memref<80x128xf32, #tpu.memory_space<vmem>>
      %dma_wait3A_84 = arith.constant 0 : i32
      %dma_wait3A_85 = tpu.memref_slice %arg7[%add3A_27, %dma_wait3A_84] : memref<10240x128xf32, #tpu.memory_space<vmem_shared>> -> memref<80x128xf32, #tpu.memory_space<vmem_shared>>
      %dma_wait3A_86 = arith.constant 0 : i32
      %dma_wait3A_87 = tpu.memref_slice %arg7[%add3A_27, %dma_wait3A_86] : memref<10240x128xf32, #tpu.memory_space<vmem_shared>> -> memref<80x128xf32, #tpu.memory_space<vmem_shared>>
      %dma_wait3A_88 = arith.constant 0 : i32
      %dma_wait3A_89 = arith.constant 0 : i32
      %dma_wait3A_90 = tpu.memref_slice %arg8[%dma_wait3A_88, %dma_wait3A_89] : memref<80x128xf32, #tpu.memory_space<vmem>> -> memref<80x128xf32, #tpu.memory_space<vmem>>
      tpu.wait_dma2 semaphore(%run_scoped3A_70 : memref<!tpu.dma_semaphore, #tpu.memory_space<semaphore_mem>>) src(%dma_wait3A_90 : memref<80x128xf32, #tpu.memory_space<vmem>>) dst(%dma_wait3A_87 : memref<80x128xf32, #tpu.memory_space<vmem_shared>>)
      tpu.yield
    }) : () -> ()
    %mul3A_28 = arith.constant 640 : i32
    %mul3A_29 = arith.muli %arg1, %mul3A_28 : i32
    %add3A_30 = arith.constant 400 : i32
    %add3A_31 = arith.addi %mul3A_29, %add3A_30 : i32
    "tpu.region"() ({
      %run_scoped3A_70 = tpu.sem_alloc : memref<!tpu.dma_semaphore, #tpu.memory_space<semaphore_mem>>
      %dma_start3A_71 = arith.constant 0 : i32
      %dma_start3A_72 = arith.constant 0 : i32
      %dma_start3A_73 = tpu.memref_slice %arg8[%dma_start3A_71, %dma_start3A_72] : memref<80x128xf32, #tpu.memory_space<vmem>> -> memref<80x128xf32, #tpu.memory_space<vmem>>
      %dma_start3A_74 = arith.constant 0 : i32
      %dma_start3A_75 = tpu.memref_slice %arg7[%add3A_31, %dma_start3A_74] : memref<10240x128xf32, #tpu.memory_space<vmem_shared>> -> memref<80x128xf32, #tpu.memory_space<vmem_shared>>
      %dma_start3A_76 = arith.constant 0 : i32
      %dma_start3A_77 = tpu.memref_slice %arg7[%add3A_31, %dma_start3A_76] : memref<10240x128xf32, #tpu.memory_space<vmem_shared>> -> memref<80x128xf32, #tpu.memory_space<vmem_shared>>
      %dma_start3A_78 = arith.constant 0 : i32
      %dma_start3A_79 = arith.constant 0 : i32
      %dma_start3A_80 = tpu.memref_slice %arg8[%dma_start3A_78, %dma_start3A_79] : memref<80x128xf32, #tpu.memory_space<vmem>> -> memref<80x128xf32, #tpu.memory_space<vmem>>
      tpu.enqueue_dma source(%dma_start3A_80 : memref<80x128xf32, #tpu.memory_space<vmem>>) target(%dma_start3A_77 : memref<80x128xf32, #tpu.memory_space<vmem_shared>>) target_semaphore(%run_scoped3A_70 : memref<!tpu.dma_semaphore, #tpu.memory_space<semaphore_mem>>)
      %dma_wait3A_81 = arith.constant 0 : i32
      %dma_wait3A_82 = arith.constant 0 : i32
      %dma_wait3A_83 = tpu.memref_slice %arg8[%dma_wait3A_81, %dma_wait3A_82] : memref<80x128xf32, #tpu.memory_space<vmem>> -> memref<80x128xf32, #tpu.memory_space<vmem>>
      %dma_wait3A_84 = arith.constant 0 : i32
      %dma_wait3A_85 = tpu.memref_slice %arg7[%add3A_31, %dma_wait3A_84] : memref<10240x128xf32, #tpu.memory_space<vmem_shared>> -> memref<80x128xf32, #tpu.memory_space<vmem_shared>>
      %dma_wait3A_86 = arith.constant 0 : i32
      %dma_wait3A_87 = tpu.memref_slice %arg7[%add3A_31, %dma_wait3A_86] : memref<10240x128xf32, #tpu.memory_space<vmem_shared>> -> memref<80x128xf32, #tpu.memory_space<vmem_shared>>
      %dma_wait3A_88 = arith.constant 0 : i32
      %dma_wait3A_89 = arith.constant 0 : i32
      %dma_wait3A_90 = tpu.memref_slice %arg8[%dma_wait3A_88, %dma_wait3A_89] : memref<80x128xf32, #tpu.memory_space<vmem>> -> memref<80x128xf32, #tpu.memory_space<vmem>>
      tpu.wait_dma2 semaphore(%run_scoped3A_70 : memref<!tpu.dma_semaphore, #tpu.memory_space<semaphore_mem>>) src(%dma_wait3A_90 : memref<80x128xf32, #tpu.memory_space<vmem>>) dst(%dma_wait3A_87 : memref<80x128xf32, #tpu.memory_space<vmem_shared>>)
      tpu.yield
    }) : () -> ()
    %mul3A_32 = arith.constant 640 : i32
    %mul3A_33 = arith.muli %arg1, %mul3A_32 : i32
    %add3A_34 = arith.constant 480 : i32
    %add3A_35 = arith.addi %mul3A_33, %add3A_34 : i32
    "tpu.region"() ({
      %run_scoped3A_70 = tpu.sem_alloc : memref<!tpu.dma_semaphore, #tpu.memory_space<semaphore_mem>>
      %dma_start3A_71 = arith.constant 0 : i32
      %dma_start3A_72 = arith.constant 0 : i32
      %dma_start3A_73 = tpu.memref_slice %arg8[%dma_start3A_71, %dma_start3A_72] : memref<80x128xf32, #tpu.memory_space<vmem>> -> memref<80x128xf32, #tpu.memory_space<vmem>>
      %dma_start3A_74 = arith.constant 0 : i32
      %dma_start3A_75 = tpu.memref_slice %arg7[%add3A_35, %dma_start3A_74] : memref<10240x128xf32, #tpu.memory_space<vmem_shared>> -> memref<80x128xf32, #tpu.memory_space<vmem_shared>>
      %dma_start3A_76 = arith.constant 0 : i32
      %dma_start3A_77 = tpu.memref_slice %arg7[%add3A_35, %dma_start3A_76] : memref<10240x128xf32, #tpu.memory_space<vmem_shared>> -> memref<80x128xf32, #tpu.memory_space<vmem_shared>>
      %dma_start3A_78 = arith.constant 0 : i32
      %dma_start3A_79 = arith.constant 0 : i32
      %dma_start3A_80 = tpu.memref_slice %arg8[%dma_start3A_78, %dma_start3A_79] : memref<80x128xf32, #tpu.memory_space<vmem>> -> memref<80x128xf32, #tpu.memory_space<vmem>>
      tpu.enqueue_dma source(%dma_start3A_80 : memref<80x128xf32, #tpu.memory_space<vmem>>) target(%dma_start3A_77 : memref<80x128xf32, #tpu.memory_space<vmem_shared>>) target_semaphore(%run_scoped3A_70 : memref<!tpu.dma_semaphore, #tpu.memory_space<semaphore_mem>>)
      %dma_wait3A_81 = arith.constant 0 : i32
      %dma_wait3A_82 = arith.constant 0 : i32
      %dma_wait3A_83 = tpu.memref_slice %arg8[%dma_wait3A_81, %dma_wait3A_82] : memref<80x128xf32, #tpu.memory_space<vmem>> -> memref<80x128xf32, #tpu.memory_space<vmem>>
      %dma_wait3A_84 = arith.constant 0 : i32
      %dma_wait3A_85 = tpu.memref_slice %arg7[%add3A_35, %dma_wait3A_84] : memref<10240x128xf32, #tpu.memory_space<vmem_shared>> -> memref<80x128xf32, #tpu.memory_space<vmem_shared>>
      %dma_wait3A_86 = arith.constant 0 : i32
      %dma_wait3A_87 = tpu.memref_slice %arg7[%add3A_35, %dma_wait3A_86] : memref<10240x128xf32, #tpu.memory_space<vmem_shared>> -> memref<80x128xf32, #tpu.memory_space<vmem_shared>>
      %dma_wait3A_88 = arith.constant 0 : i32
      %dma_wait3A_89 = arith.constant 0 : i32
      %dma_wait3A_90 = tpu.memref_slice %arg8[%dma_wait3A_88, %dma_wait3A_89] : memref<80x128xf32, #tpu.memory_space<vmem>> -> memref<80x128xf32, #tpu.memory_space<vmem>>
      tpu.wait_dma2 semaphore(%run_scoped3A_70 : memref<!tpu.dma_semaphore, #tpu.memory_space<semaphore_mem>>) src(%dma_wait3A_90 : memref<80x128xf32, #tpu.memory_space<vmem>>) dst(%dma_wait3A_87 : memref<80x128xf32, #tpu.memory_space<vmem_shared>>)
      tpu.yield
    }) : () -> ()
    %mul3A_36 = arith.constant 640 : i32
    %mul3A_37 = arith.muli %arg1, %mul3A_36 : i32
    %add3A_38 = arith.constant 560 : i32
    %add3A_39 = arith.addi %mul3A_37, %add3A_38 : i32
    "tpu.region"() ({
      %run_scoped3A_70 = tpu.sem_alloc : memref<!tpu.dma_semaphore, #tpu.memory_space<semaphore_mem>>
      %dma_start3A_71 = arith.constant 0 : i32
      %dma_start3A_72 = arith.constant 0 : i32
      %dma_start3A_73 = tpu.memref_slice %arg8[%dma_start3A_71, %dma_start3A_72] : memref<80x128xf32, #tpu.memory_space<vmem>> -> memref<80x128xf32, #tpu.memory_space<vmem>>
      %dma_start3A_74 = arith.constant 0 : i32
      %dma_start3A_75 = tpu.memref_slice %arg7[%add3A_39, %dma_start3A_74] : memref<10240x128xf32, #tpu.memory_space<vmem_shared>> -> memref<80x128xf32, #tpu.memory_space<vmem_shared>>
      %dma_start3A_76 = arith.constant 0 : i32
      %dma_start3A_77 = tpu.memref_slice %arg7[%add3A_39, %dma_start3A_76] : memref<10240x128xf32, #tpu.memory_space<vmem_shared>> -> memref<80x128xf32, #tpu.memory_space<vmem_shared>>
      %dma_start3A_78 = arith.constant 0 : i32
      %dma_start3A_79 = arith.constant 0 : i32
      %dma_start3A_80 = tpu.memref_slice %arg8[%dma_start3A_78, %dma_start3A_79] : memref<80x128xf32, #tpu.memory_space<vmem>> -> memref<80x128xf32, #tpu.memory_space<vmem>>
      tpu.enqueue_dma source(%dma_start3A_80 : memref<80x128xf32, #tpu.memory_space<vmem>>) target(%dma_start3A_77 : memref<80x128xf32, #tpu.memory_space<vmem_shared>>) target_semaphore(%run_scoped3A_70 : memref<!tpu.dma_semaphore, #tpu.memory_space<semaphore_mem>>)
      %dma_wait3A_81 = arith.constant 0 : i32
      %dma_wait3A_82 = arith.constant 0 : i32
      %dma_wait3A_83 = tpu.memref_slice %arg8[%dma_wait3A_81, %dma_wait3A_82] : memref<80x128xf32, #tpu.memory_space<vmem>> -> memref<80x128xf32, #tpu.memory_space<vmem>>
      %dma_wait3A_84 = arith.constant 0 : i32
      %dma_wait3A_85 = tpu.memref_slice %arg7[%add3A_39, %dma_wait3A_84] : memref<10240x128xf32, #tpu.memory_space<vmem_shared>> -> memref<80x128xf32, #tpu.memory_space<vmem_shared>>
      %dma_wait3A_86 = arith.constant 0 : i32
      %dma_wait3A_87 = tpu.memref_slice %arg7[%add3A_39, %dma_wait3A_86] : memref<10240x128xf32, #tpu.memory_space<vmem_shared>> -> memref<80x128xf32, #tpu.memory_space<vmem_shared>>
      %dma_wait3A_88 = arith.constant 0 : i32
      %dma_wait3A_89 = arith.constant 0 : i32
      %dma_wait3A_90 = tpu.memref_slice %arg8[%dma_wait3A_88, %dma_wait3A_89] : memref<80x128xf32, #tpu.memory_space<vmem>> -> memref<80x128xf32, #tpu.memory_space<vmem>>
      tpu.wait_dma2 semaphore(%run_scoped3A_70 : memref<!tpu.dma_semaphore, #tpu.memory_space<semaphore_mem>>) src(%dma_wait3A_90 : memref<80x128xf32, #tpu.memory_space<vmem>>) dst(%dma_wait3A_87 : memref<80x128xf32, #tpu.memory_space<vmem_shared>>)
      tpu.yield
    }) : () -> ()
    %barrier3A = arith.constant 0 : index
    tpu.barrier barrier_id(%barrier3A)
    %dma_start3A = arith.constant 0 : i32
    %dma_start3A_40 = tpu.memref_slice %arg10[%dma_start3A] : memref<10000xi32, #tpu.memory_space<vmem>> -> memref<80xi32, #tpu.memory_space<vmem>>
    %dma_start3A_41 = arith.constant 0 : i32
    %dma_start3A_42 = arith.constant 0 : i32
    %dma_start3A_43 = tpu.memref_slice %arg2[%dma_start3A_41, %dma_start3A_42] : memref<10000x128xf32, #tpu.memory_space<hbm>> -> memref<10000x128xf32, #tpu.memory_space<hbm>>
    tpu.enqueue_indirect_dma source(%dma_start3A_43 : memref<10000x128xf32, #tpu.memory_space<hbm>>) target(%arg8 : memref<80x128xf32, #tpu.memory_space<vmem>>) offsets(%dma_start3A_40 : memref<80xi32, #tpu.memory_space<vmem>>) semaphore(%arg12 : memref<!tpu.dma_semaphore, #tpu.memory_space<semaphore_mem>>)
    %dma_start3A_44 = arith.constant 80 : i32
    %dma_start3A_45 = tpu.memref_slice %arg10[%dma_start3A_44] : memref<10000xi32, #tpu.memory_space<vmem>> -> memref<80xi32, #tpu.memory_space<vmem>>
    %dma_start3A_46 = arith.constant 0 : i32
    %dma_start3A_47 = arith.constant 0 : i32
    %dma_start3A_48 = tpu.memref_slice %arg2[%dma_start3A_46, %dma_start3A_47] : memref<10000x128xf32, #tpu.memory_space<hbm>> -> memref<10000x128xf32, #tpu.memory_space<hbm>>
    tpu.enqueue_indirect_dma source(%dma_start3A_48 : memref<10000x128xf32, #tpu.memory_space<hbm>>) target(%arg9 : memref<80x128xf32, #tpu.memory_space<vmem>>) offsets(%dma_start3A_45 : memref<80xi32, #tpu.memory_space<vmem>>) semaphore(%arg13 : memref<!tpu.dma_semaphore, #tpu.memory_space<semaphore_mem>>)
    %scan3A_49 = arith.constant 0 : i32
    %scan3A_50 = arith.constant 0 : i32
    %scan3A_51 = arith.constant 62 : i32
    %scan3A_52 = arith.addi %scan3A_50, %scan3A_51 : i32
    %scan3A_53 = arith.constant 1 : i32
    %scan3A_54 = scf.for %scan3A_70 = %scan3A_50 to %scan3A_52 step %scan3A_53 iter_args(%scan3A_71 = %scan3A_49) -> (i32)  : i32 {
      %mul3A_72 = arith.constant 2 : i32
      %mul3A_73 = arith.muli %mul3A_72, %scan3A_70 : i32
      %add3A_74 = arith.constant 1 : i32
      %add3A_75 = arith.addi %mul3A_73, %add3A_74 : i32
      %mul3A_76 = arith.constant 80 : i32
      %mul3A_77 = arith.muli %mul3A_73, %mul3A_76 : i32
      %dma_wait3A_78 = tpu.memref_slice %arg10[%mul3A_77] : memref<10000xi32, #tpu.memory_space<vmem>> -> memref<80xi32, #tpu.memory_space<vmem>>
      %dma_wait3A_79 = arith.constant 0 : i32
      %dma_wait3A_80 = arith.constant 0 : i32
      %dma_wait3A_81 = tpu.memref_slice %arg2[%dma_wait3A_79, %dma_wait3A_80] : memref<10000x128xf32, #tpu.memory_space<hbm>> -> memref<10000x128xf32, #tpu.memory_space<hbm>>
      tpu.wait_indirect_dma semaphore(%arg12 : memref<!tpu.dma_semaphore, #tpu.memory_space<semaphore_mem>>) src(%dma_wait3A_81 : memref<10000x128xf32, #tpu.memory_space<hbm>>) dst(%arg8 : memref<80x128xf32, #tpu.memory_space<vmem>>)
      "tpu.region"() ({
        %run_scoped3A_103 = tpu.sem_alloc : memref<!tpu.dma_semaphore, #tpu.memory_space<semaphore_mem>>
        %dma_start3A_104 = arith.constant 0 : i32
        %dma_start3A_105 = tpu.memref_slice %arg11[%mul3A_73, %dma_start3A_104] : memref<125x80xi32, #tpu.memory_space<vmem>> -> memref<1x80xi32, #tpu.memory_space<vmem>>
        %dma_start3A_106 = tpu.memref_squeeze %dma_start3A_105 : memref<1x80xi32, #tpu.memory_space<vmem>> -> memref<80xi32, #tpu.memory_space<vmem>>
        %dma_start3A_107 = arith.constant 0 : i32
        %dma_start3A_108 = arith.constant 0 : i32
        %dma_start3A_109 = tpu.memref_slice %arg7[%dma_start3A_107, %dma_start3A_108] : memref<10240x128xf32, #tpu.memory_space<vmem_shared>> -> memref<10240x128xf32, #tpu.memory_space<vmem_shared>>
        tpu.enqueue_indirect_dma source(%arg8 : memref<80x128xf32, #tpu.memory_space<vmem>>) target(%dma_start3A_109 : memref<10240x128xf32, #tpu.memory_space<vmem_shared>>) offsets(%dma_start3A_106 : memref<80xi32, #tpu.memory_space<vmem>>) semaphore(%run_scoped3A_103 : memref<!tpu.dma_semaphore, #tpu.memory_space<semaphore_mem>>) {add = true}
        %dma_wait3A_110 = arith.constant 0 : i32
        %dma_wait3A_111 = tpu.memref_slice %arg11[%mul3A_73, %dma_wait3A_110] : memref<125x80xi32, #tpu.memory_space<vmem>> -> memref<1x80xi32, #tpu.memory_space<vmem>>
        %dma_wait3A_112 = tpu.memref_squeeze %dma_wait3A_111 : memref<1x80xi32, #tpu.memory_space<vmem>> -> memref<80xi32, #tpu.memory_space<vmem>>
        %dma_wait3A_113 = arith.constant 0 : i32
        %dma_wait3A_114 = arith.constant 0 : i32
        %dma_wait3A_115 = tpu.memref_slice %arg7[%dma_wait3A_113, %dma_wait3A_114] : memref<10240x128xf32, #tpu.memory_space<vmem_shared>> -> memref<10240x128xf32, #tpu.memory_space<vmem_shared>>
        tpu.wait_indirect_dma semaphore(%run_scoped3A_103 : memref<!tpu.dma_semaphore, #tpu.memory_space<semaphore_mem>>) src(%arg8 : memref<80x128xf32, #tpu.memory_space<vmem>>) dst(%dma_wait3A_115 : memref<10240x128xf32, #tpu.memory_space<vmem_shared>>)
        tpu.yield
      }) : () -> ()
      %add3A_82 = arith.constant 2 : i32
      %add3A_83 = arith.addi %mul3A_73, %add3A_82 : i32
      %mul3A_84 = arith.constant 80 : i32
      %mul3A_85 = arith.muli %add3A_83, %mul3A_84 : i32
      %dma_start3A_86 = tpu.memref_slice %arg10[%mul3A_85] : memref<10000xi32, #tpu.memory_space<vmem>> -> memref<80xi32, #tpu.memory_space<vmem>>
      %dma_start3A_87 = arith.constant 0 : i32
      %dma_start3A_88 = arith.constant 0 : i32
      %dma_start3A_89 = tpu.memref_slice %arg2[%dma_start3A_87, %dma_start3A_88] : memref<10000x128xf32, #tpu.memory_space<hbm>> -> memref<10000x128xf32, #tpu.memory_space<hbm>>
      tpu.enqueue_indirect_dma source(%dma_start3A_89 : memref<10000x128xf32, #tpu.memory_space<hbm>>) target(%arg8 : memref<80x128xf32, #tpu.memory_space<vmem>>) offsets(%dma_start3A_86 : memref<80xi32, #tpu.memory_space<vmem>>) semaphore(%arg12 : memref<!tpu.dma_semaphore, #tpu.memory_space<semaphore_mem>>)
      %mul3A_90 = arith.constant 80 : i32
      %mul3A_91 = arith.muli %add3A_75, %mul3A_90 : i32
      %dma_wait3A_92 = tpu.memref_slice %arg10[%mul3A_91] : memref<10000xi32, #tpu.memory_space<vmem>> -> memref<80xi32, #tpu.memory_space<vmem>>
      %dma_wait3A_93 = arith.constant 0 : i32
      %dma_wait3A_94 = arith.constant 0 : i32
      %dma_wait3A_95 = tpu.memref_slice %arg2[%dma_wait3A_93, %dma_wait3A_94] : memref<10000x128xf32, #tpu.memory_space<hbm>> -> memref<10000x128xf32, #tpu.memory_space<hbm>>
      tpu.wait_indirect_dma semaphore(%arg13 : memref<!tpu.dma_semaphore, #tpu.memory_space<semaphore_mem>>) src(%dma_wait3A_95 : memref<10000x128xf32, #tpu.memory_space<hbm>>) dst(%arg9 : memref<80x128xf32, #tpu.memory_space<vmem>>)
      "tpu.region"() ({
        %run_scoped3A_103 = tpu.sem_alloc : memref<!tpu.dma_semaphore, #tpu.memory_space<semaphore_mem>>
        %dma_start3A_104 = arith.constant 0 : i32
        %dma_start3A_105 = tpu.memref_slice %arg11[%add3A_75, %dma_start3A_104] : memref<125x80xi32, #tpu.memory_space<vmem>> -> memref<1x80xi32, #tpu.memory_space<vmem>>
        %dma_start3A_106 = tpu.memref_squeeze %dma_start3A_105 : memref<1x80xi32, #tpu.memory_space<vmem>> -> memref<80xi32, #tpu.memory_space<vmem>>
        %dma_start3A_107 = arith.constant 0 : i32
        %dma_start3A_108 = arith.constant 0 : i32
        %dma_start3A_109 = tpu.memref_slice %arg7[%dma_start3A_107, %dma_start3A_108] : memref<10240x128xf32, #tpu.memory_space<vmem_shared>> -> memref<10240x128xf32, #tpu.memory_space<vmem_shared>>
        tpu.enqueue_indirect_dma source(%arg9 : memref<80x128xf32, #tpu.memory_space<vmem>>) target(%dma_start3A_109 : memref<10240x128xf32, #tpu.memory_space<vmem_shared>>) offsets(%dma_start3A_106 : memref<80xi32, #tpu.memory_space<vmem>>) semaphore(%run_scoped3A_103 : memref<!tpu.dma_semaphore, #tpu.memory_space<semaphore_mem>>) {add = true}
        %dma_wait3A_110 = arith.constant 0 : i32
        %dma_wait3A_111 = tpu.memref_slice %arg11[%add3A_75, %dma_wait3A_110] : memref<125x80xi32, #tpu.memory_space<vmem>> -> memref<1x80xi32, #tpu.memory_space<vmem>>
        %dma_wait3A_112 = tpu.memref_squeeze %dma_wait3A_111 : memref<1x80xi32, #tpu.memory_space<vmem>> -> memref<80xi32, #tpu.memory_space<vmem>>
        %dma_wait3A_113 = arith.constant 0 : i32
        %dma_wait3A_114 = arith.constant 0 : i32
        %dma_wait3A_115 = tpu.memref_slice %arg7[%dma_wait3A_113, %dma_wait3A_114] : memref<10240x128xf32, #tpu.memory_space<vmem_shared>> -> memref<10240x128xf32, #tpu.memory_space<vmem_shared>>
        tpu.wait_indirect_dma semaphore(%run_scoped3A_103 : memref<!tpu.dma_semaphore, #tpu.memory_space<semaphore_mem>>) src(%arg9 : memref<80x128xf32, #tpu.memory_space<vmem>>) dst(%dma_wait3A_115 : memref<10240x128xf32, #tpu.memory_space<vmem_shared>>)
        tpu.yield
      }) : () -> ()
      %add3A_96 = arith.constant 2 : i32
      %add3A_97 = arith.addi %add3A_75, %add3A_96 : i32
      %le3A = arith.constant 124 : i32
      %le3A_98 = arith.cmpi sle, %add3A_97, %le3A : i32
      %convert_element_type3A_99 = arith.extui %le3A_98 : i1 to i32
      %cond3A_100 = arith.constant 0 : i32
      %cond3A_101 = arith.cmpi ne, %convert_element_type3A_99, %cond3A_100 : i32
      scf.if %cond3A_101 {
        %add3A_103 = arith.constant 2 : i32
        %add3A_104 = arith.addi %add3A_75, %add3A_103 : i32
        %mul3A_105 = arith.constant 80 : i32
        %mul3A_106 = arith.muli %add3A_104, %mul3A_105 : i32
        %dma_start3A_107 = tpu.memref_slice %arg10[%mul3A_106] : memref<10000xi32, #tpu.memory_space<vmem>> -> memref<80xi32, #tpu.memory_space<vmem>>
        %dma_start3A_108 = arith.constant 0 : i32
        %dma_start3A_109 = arith.constant 0 : i32
        %dma_start3A_110 = tpu.memref_slice %arg2[%dma_start3A_108, %dma_start3A_109] : memref<10000x128xf32, #tpu.memory_space<hbm>> -> memref<10000x128xf32, #tpu.memory_space<hbm>>
        tpu.enqueue_indirect_dma source(%dma_start3A_110 : memref<10000x128xf32, #tpu.memory_space<hbm>>) target(%arg9 : memref<80x128xf32, #tpu.memory_space<vmem>>) offsets(%dma_start3A_107 : memref<80xi32, #tpu.memory_space<vmem>>) semaphore(%arg13 : memref<!tpu.dma_semaphore, #tpu.memory_space<semaphore_mem>>)
      } else {
      }
      %scan3A_102 = arith.constant 0 : i32
      scf.yield %scan3A_102 : i32
    }
    %scan3A_55 = arith.constant 62 : i32
    %dma_wait3A = arith.constant 9920 : i32
    %dma_wait3A_56 = tpu.memref_slice %arg10[%dma_wait3A] : memref<10000xi32, #tpu.memory_space<vmem>> -> memref<80xi32, #tpu.memory_space<vmem>>
    %dma_wait3A_57 = arith.constant 0 : i32
    %dma_wait3A_58 = arith.constant 0 : i32
    %dma_wait3A_59 = tpu.memref_slice %arg2[%dma_wait3A_57, %dma_wait3A_58] : memref<10000x128xf32, #tpu.memory_space<hbm>> -> memref<10000x128xf32, #tpu.memory_space<hbm>>
    tpu.wait_indirect_dma semaphore(%arg12 : memref<!tpu.dma_semaphore, #tpu.memory_space<semaphore_mem>>) src(%dma_wait3A_59 : memref<10000x128xf32, #tpu.memory_space<hbm>>) dst(%arg8 : memref<80x128xf32, #tpu.memory_space<vmem>>)
    %run_scoped3A = arith.constant 124 : i32
    "tpu.region"() ({
      %run_scoped3A_70 = tpu.sem_alloc : memref<!tpu.dma_semaphore, #tpu.memory_space<semaphore_mem>>
      %dma_start3A_71 = arith.constant 0 : i32
      %dma_start3A_72 = tpu.memref_slice %arg11[%run_scoped3A, %dma_start3A_71] : memref<125x80xi32, #tpu.memory_space<vmem>> -> memref<1x80xi32, #tpu.memory_space<vmem>>
      %dma_start3A_73 = tpu.memref_squeeze %dma_start3A_72 : memref<1x80xi32, #tpu.memory_space<vmem>> -> memref<80xi32, #tpu.memory_space<vmem>>
      %dma_start3A_74 = arith.constant 0 : i32
      %dma_start3A_75 = arith.constant 0 : i32
      %dma_start3A_76 = tpu.memref_slice %arg7[%dma_start3A_74, %dma_start3A_75] : memref<10240x128xf32, #tpu.memory_space<vmem_shared>> -> memref<10240x128xf32, #tpu.memory_space<vmem_shared>>
      tpu.enqueue_indirect_dma source(%arg8 : memref<80x128xf32, #tpu.memory_space<vmem>>) target(%dma_start3A_76 : memref<10240x128xf32, #tpu.memory_space<vmem_shared>>) offsets(%dma_start3A_73 : memref<80xi32, #tpu.memory_space<vmem>>) semaphore(%run_scoped3A_70 : memref<!tpu.dma_semaphore, #tpu.memory_space<semaphore_mem>>) {add = true}
      %dma_wait3A_77 = arith.constant 0 : i32
      %dma_wait3A_78 = tpu.memref_slice %arg11[%run_scoped3A, %dma_wait3A_77] : memref<125x80xi32, #tpu.memory_space<vmem>> -> memref<1x80xi32, #tpu.memory_space<vmem>>
      %dma_wait3A_79 = tpu.memref_squeeze %dma_wait3A_78 : memref<1x80xi32, #tpu.memory_space<vmem>> -> memref<80xi32, #tpu.memory_space<vmem>>
      %dma_wait3A_80 = arith.constant 0 : i32
      %dma_wait3A_81 = arith.constant 0 : i32
      %dma_wait3A_82 = tpu.memref_slice %arg7[%dma_wait3A_80, %dma_wait3A_81] : memref<10240x128xf32, #tpu.memory_space<vmem_shared>> -> memref<10240x128xf32, #tpu.memory_space<vmem_shared>>
      tpu.wait_indirect_dma semaphore(%run_scoped3A_70 : memref<!tpu.dma_semaphore, #tpu.memory_space<semaphore_mem>>) src(%arg8 : memref<80x128xf32, #tpu.memory_space<vmem>>) dst(%dma_wait3A_82 : memref<10240x128xf32, #tpu.memory_space<vmem_shared>>)
      tpu.yield
    }) : () -> ()
    %barrier3A_60 = arith.constant 0 : index
    tpu.barrier barrier_id(%barrier3A_60)
    %mul3A_61 = arith.constant 640 : i32
    %mul3A_62 = arith.muli %arg1, %mul3A_61 : i32
    %eq3A = arith.constant 0 : i32
    %eq3A_63 = arith.cmpi eq, %arg0, %eq3A : i32
    %convert_element_type3A = arith.extui %eq3A_63 : i1 to i32
    %cond3A = arith.constant 0 : i32
    %cond3A_64 = arith.cmpi ne, %convert_element_type3A, %cond3A : i32
    scf.if %cond3A_64 {
      "tpu.region"() ({
        %run_scoped3A_70 = tpu.sem_alloc : memref<!tpu.dma_semaphore, #tpu.memory_space<semaphore_mem>>
        %dma_start3A_71 = arith.constant 0 : i32
        %dma_start3A_72 = tpu.memref_slice %arg5[%mul3A_62, %dma_start3A_71] : memref<10240x128xf32, #tpu.memory_space<hbm>> -> memref<640x128xf32, #tpu.memory_space<hbm>>
        %dma_start3A_73 = arith.constant 0 : i32
        %dma_start3A_74 = tpu.memref_slice %arg7[%mul3A_62, %dma_start3A_73] : memref<10240x128xf32, #tpu.memory_space<vmem_shared>> -> memref<640x128xf32, #tpu.memory_space<vmem_shared>>
        tpu.enqueue_dma source(%dma_start3A_74 : memref<640x128xf32, #tpu.memory_space<vmem_shared>>) target(%dma_start3A_72 : memref<640x128xf32, #tpu.memory_space<hbm>>) target_semaphore(%run_scoped3A_70 : memref<!tpu.dma_semaphore, #tpu.memory_space<semaphore_mem>>)
        %dma_wait3A_75 = arith.constant 0 : i32
        %dma_wait3A_76 = tpu.memref_slice %arg5[%mul3A_62, %dma_wait3A_75] : memref<10240x128xf32, #tpu.memory_space<hbm>> -> memref<640x128xf32, #tpu.memory_space<hbm>>
        %dma_wait3A_77 = arith.constant 0 : i32
        %dma_wait3A_78 = tpu.memref_slice %arg7[%mul3A_62, %dma_wait3A_77] : memref<10240x128xf32, #tpu.memory_space<vmem_shared>> -> memref<640x128xf32, #tpu.memory_space<vmem_shared>>
        tpu.wait_dma2 semaphore(%run_scoped3A_70 : memref<!tpu.dma_semaphore, #tpu.memory_space<semaphore_mem>>) src(%dma_wait3A_78 : memref<640x128xf32, #tpu.memory_space<vmem_shared>>) dst(%dma_wait3A_76 : memref<640x128xf32, #tpu.memory_space<hbm>>)
        tpu.yield
      }) : () -> ()
    } else {
    }
    %eq3A_65 = arith.constant 1 : i32
    %eq3A_66 = arith.cmpi eq, %arg0, %eq3A_65 : i32
    %convert_element_type3A_67 = arith.extui %eq3A_66 : i1 to i32
    %cond3A_68 = arith.constant 0 : i32
    %cond3A_69 = arith.cmpi ne, %convert_element_type3A_67, %cond3A_68 : i32
    scf.if %cond3A_69 {
      "tpu.region"() ({
        %run_scoped3A_70 = tpu.sem_alloc : memref<!tpu.dma_semaphore, #tpu.memory_space<semaphore_mem>>
        %dma_start3A_71 = arith.constant 0 : i32
        %dma_start3A_72 = tpu.memref_slice %arg6[%mul3A_62, %dma_start3A_71] : memref<10240x128xf32, #tpu.memory_space<hbm>> -> memref<640x128xf32, #tpu.memory_space<hbm>>
        %dma_start3A_73 = arith.constant 0 : i32
        %dma_start3A_74 = tpu.memref_slice %arg7[%mul3A_62, %dma_start3A_73] : memref<10240x128xf32, #tpu.memory_space<vmem_shared>> -> memref<640x128xf32, #tpu.memory_space<vmem_shared>>
        tpu.enqueue_dma source(%dma_start3A_74 : memref<640x128xf32, #tpu.memory_space<vmem_shared>>) target(%dma_start3A_72 : memref<640x128xf32, #tpu.memory_space<hbm>>) target_semaphore(%run_scoped3A_70 : memref<!tpu.dma_semaphore, #tpu.memory_space<semaphore_mem>>)
        %dma_wait3A_75 = arith.constant 0 : i32
        %dma_wait3A_76 = tpu.memref_slice %arg6[%mul3A_62, %dma_wait3A_75] : memref<10240x128xf32, #tpu.memory_space<hbm>> -> memref<640x128xf32, #tpu.memory_space<hbm>>
        %dma_wait3A_77 = arith.constant 0 : i32
        %dma_wait3A_78 = tpu.memref_slice %arg7[%mul3A_62, %dma_wait3A_77] : memref<10240x128xf32, #tpu.memory_space<vmem_shared>> -> memref<640x128xf32, #tpu.memory_space<vmem_shared>>
        tpu.wait_dma2 semaphore(%run_scoped3A_70 : memref<!tpu.dma_semaphore, #tpu.memory_space<semaphore_mem>>) src(%dma_wait3A_78 : memref<640x128xf32, #tpu.memory_space<vmem_shared>>) dst(%dma_wait3A_76 : memref<640x128xf32, #tpu.memory_space<hbm>>)
        tpu.yield
      }) : () -> ()
    } else {
    }
    return
  }
}

#map = affine_map<(d0, d1) -> (0, 0, 0)>
#map1 = affine_map<(d0, d1) -> (0)>
module attributes {stable_mosaic.version = 14 : i64} {
  func.func @_deg_kernel(%arg0: i32, %arg1: i32, %arg2: memref<32x125x80xi32, #tpu.memory_space<hbm>>, %arg3: memref<10240xf32, #tpu.memory_space<hbm>>, %arg4: memref<10240xf32, #tpu.memory_space<hbm>>, %arg5: memref<10240xf32, #tpu.memory_space<vmem_shared>>, %arg6: memref<125x80xi32, #tpu.memory_space<vmem>>, %arg7: memref<80xf32, #tpu.memory_space<vmem>>, %arg8: memref<640xf32, #tpu.memory_space<vmem>>, %arg9: memref<!tpu.dma_semaphore, #tpu.memory_space<semaphore_mem>>, %arg10: memref<!tpu.dma_semaphore, #tpu.memory_space<semaphore_mem>>) attributes {dimension_semantics = [#tpu.dimension_semantics<core_parallel>, #tpu.dimension_semantics<subcore_parallel>], iteration_bounds = array<i64: 2, 16>, scalar_prefetch = 0 : i64, scratch_operands = 6 : i64, tpu.core_type = #tpu.core_type<sc_vector_subcore>, window_params = [{transform_indices = #map}, {transform_indices = #map1}, {transform_indices = #map1}]} {
    %mul3A = arith.constant 16 : i32
    %mul3A_0 = arith.muli %arg0, %mul3A : i32
    %add3A = arith.addi %mul3A_0, %arg1 : i32
    "tpu.region"() ({
      %run_scoped3A = tpu.sem_alloc : memref<!tpu.dma_semaphore, #tpu.memory_space<semaphore_mem>>
      %dma_start3A_56 = arith.constant 0 : i32
      %dma_start3A_57 = arith.constant 0 : i32
      %dma_start3A_58 = tpu.memref_slice %arg2[%add3A, %dma_start3A_56, %dma_start3A_57] : memref<32x125x80xi32, #tpu.memory_space<hbm>> -> memref<1x125x80xi32, #tpu.memory_space<hbm>>
      %dma_start3A_59 = tpu.memref_squeeze %dma_start3A_58 : memref<1x125x80xi32, #tpu.memory_space<hbm>> -> memref<125x80xi32, #tpu.memory_space<hbm>>
      %dma_start3A_60 = arith.constant 0 : i32
      %dma_start3A_61 = arith.constant 0 : i32
      %dma_start3A_62 = tpu.memref_slice %arg2[%add3A, %dma_start3A_60, %dma_start3A_61] : memref<32x125x80xi32, #tpu.memory_space<hbm>> -> memref<1x125x80xi32, #tpu.memory_space<hbm>>
      %dma_start3A_63 = tpu.memref_squeeze %dma_start3A_62 : memref<1x125x80xi32, #tpu.memory_space<hbm>> -> memref<125x80xi32, #tpu.memory_space<hbm>>
      tpu.enqueue_dma source(%dma_start3A_63 : memref<125x80xi32, #tpu.memory_space<hbm>>) target(%arg6 : memref<125x80xi32, #tpu.memory_space<vmem>>) target_semaphore(%run_scoped3A : memref<!tpu.dma_semaphore, #tpu.memory_space<semaphore_mem>>)
      %dma_wait3A_64 = arith.constant 0 : i32
      %dma_wait3A_65 = arith.constant 0 : i32
      %dma_wait3A_66 = tpu.memref_slice %arg2[%add3A, %dma_wait3A_64, %dma_wait3A_65] : memref<32x125x80xi32, #tpu.memory_space<hbm>> -> memref<1x125x80xi32, #tpu.memory_space<hbm>>
      %dma_wait3A_67 = tpu.memref_squeeze %dma_wait3A_66 : memref<1x125x80xi32, #tpu.memory_space<hbm>> -> memref<125x80xi32, #tpu.memory_space<hbm>>
      %dma_wait3A_68 = arith.constant 0 : i32
      %dma_wait3A_69 = arith.constant 0 : i32
      %dma_wait3A_70 = tpu.memref_slice %arg2[%add3A, %dma_wait3A_68, %dma_wait3A_69] : memref<32x125x80xi32, #tpu.memory_space<hbm>> -> memref<1x125x80xi32, #tpu.memory_space<hbm>>
      %dma_wait3A_71 = tpu.memref_squeeze %dma_wait3A_70 : memref<1x125x80xi32, #tpu.memory_space<hbm>> -> memref<125x80xi32, #tpu.memory_space<hbm>>
      tpu.wait_dma2 semaphore(%run_scoped3A : memref<!tpu.dma_semaphore, #tpu.memory_space<semaphore_mem>>) src(%dma_wait3A_71 : memref<125x80xi32, #tpu.memory_space<hbm>>) dst(%arg6 : memref<125x80xi32, #tpu.memory_space<vmem>>)
      tpu.yield
    }) : () -> ()
    %broadcast_in_dim3A = arith.constant 0.000000e+00 : f32
    %broadcast_in_dim3A_1 = vector.broadcast %broadcast_in_dim3A : f32 to vector<16xf32>
    %scan3A = arith.constant 0 : i32
    %scan3A_2 = arith.constant 0 : i32
    %scan3A_3 = arith.constant 40 : i32
    %scan3A_4 = arith.addi %scan3A_2, %scan3A_3 : i32
    %scan3A_5 = arith.constant 1 : i32
    %scan3A_6 = scf.for %scan3A_56 = %scan3A_2 to %scan3A_4 step %scan3A_5 iter_args(%scan3A_57 = %scan3A) -> (i32)  : i32 {
      %mul3A_58 = arith.constant 16 : i32
      %mul3A_59 = arith.muli %scan3A_56, %mul3A_58 : i32
      %swap3A = arith.index_cast %mul3A_59 : i32 to index
      %swap3A_60 = tpu.vector_load %arg8[%swap3A] {strides = array<i32>} : memref<640xf32, #tpu.memory_space<vmem>>, vector<16xf32>,
      %swap3A_61 = vector.shape_cast %swap3A_60 : vector<16xf32> to vector<16xf32>
      %swap3A_62 = vector.shape_cast %broadcast_in_dim3A_1 : vector<16xf32> to vector<16xf32>
      tpu.vector_store %arg8[%swap3A], %swap3A_62 {strides = array<i32>} : memref<640xf32, #tpu.memory_space<vmem>>, vector<16xf32>,
      %scan3A_63 = arith.constant 0 : i32
      scf.yield %scan3A_63 : i32
    }
    %scan3A_7 = arith.constant 40 : i32
    %broadcast_in_dim3A_8 = arith.constant 1.000000e+00 : f32
    %broadcast_in_dim3A_9 = vector.broadcast %broadcast_in_dim3A_8 : f32 to vector<16xf32>
    %scan3A_10 = arith.constant 0 : i32
    %scan3A_11 = arith.constant 0 : i32
    %scan3A_12 = arith.constant 5 : i32
    %scan3A_13 = arith.addi %scan3A_11, %scan3A_12 : i32
    %scan3A_14 = arith.constant 1 : i32
    %scan3A_15 = scf.for %scan3A_56 = %scan3A_11 to %scan3A_13 step %scan3A_14 iter_args(%scan3A_57 = %scan3A_10) -> (i32)  : i32 {
      %mul3A_58 = arith.constant 16 : i32
      %mul3A_59 = arith.muli %scan3A_56, %mul3A_58 : i32
      %swap3A = arith.index_cast %mul3A_59 : i32 to index
      %swap3A_60 = tpu.vector_load %arg7[%swap3A] {strides = array<i32>} : memref<80xf32, #tpu.memory_space<vmem>>, vector<16xf32>,
      %swap3A_61 = vector.shape_cast %swap3A_60 : vector<16xf32> to vector<16xf32>
      %swap3A_62 = vector.shape_cast %broadcast_in_dim3A_9 : vector<16xf32> to vector<16xf32>
      tpu.vector_store %arg7[%swap3A], %swap3A_62 {strides = array<i32>} : memref<80xf32, #tpu.memory_space<vmem>>, vector<16xf32>,
      %scan3A_63 = arith.constant 0 : i32
      scf.yield %scan3A_63 : i32
    }
    %scan3A_16 = arith.constant 5 : i32
    %mul3A_17 = arith.constant 640 : i32
    %mul3A_18 = arith.muli %arg1, %mul3A_17 : i32
    "tpu.region"() ({
      %run_scoped3A = tpu.sem_alloc : memref<!tpu.dma_semaphore, #tpu.memory_space<semaphore_mem>>
      %dma_start3A_56 = tpu.memref_slice %arg5[%mul3A_18] : memref<10240xf32, #tpu.memory_space<vmem_shared>> -> memref<640xf32, #tpu.memory_space<vmem_shared>>
      %dma_start3A_57 = tpu.memref_slice %arg5[%mul3A_18] : memref<10240xf32, #tpu.memory_space<vmem_shared>> -> memref<640xf32, #tpu.memory_space<vmem_shared>>
      tpu.enqueue_dma source(%arg8 : memref<640xf32, #tpu.memory_space<vmem>>) target(%dma_start3A_57 : memref<640xf32, #tpu.memory_space<vmem_shared>>) target_semaphore(%run_scoped3A : memref<!tpu.dma_semaphore, #tpu.memory_space<semaphore_mem>>)
      %dma_wait3A_58 = tpu.memref_slice %arg5[%mul3A_18] : memref<10240xf32, #tpu.memory_space<vmem_shared>> -> memref<640xf32, #tpu.memory_space<vmem_shared>>
      %dma_wait3A_59 = tpu.memref_slice %arg5[%mul3A_18] : memref<10240xf32, #tpu.memory_space<vmem_shared>> -> memref<640xf32, #tpu.memory_space<vmem_shared>>
      tpu.wait_dma2 semaphore(%run_scoped3A : memref<!tpu.dma_semaphore, #tpu.memory_space<semaphore_mem>>) src(%arg8 : memref<640xf32, #tpu.memory_space<vmem>>) dst(%dma_wait3A_59 : memref<640xf32, #tpu.memory_space<vmem_shared>>)
      tpu.yield
    }) : () -> ()
    %barrier3A = arith.constant 0 : index
    tpu.barrier barrier_id(%barrier3A)
    %scan3A_19 = arith.constant 0 : i32
    %scan3A_20 = arith.constant 0 : i32
    %scan3A_21 = arith.constant 62 : i32
    %scan3A_22 = arith.addi %scan3A_20, %scan3A_21 : i32
    %scan3A_23 = arith.constant 1 : i32
    %scan3A_24 = scf.for %scan3A_56 = %scan3A_20 to %scan3A_22 step %scan3A_23 iter_args(%scan3A_57 = %scan3A_19) -> (i32)  : i32 {
      %ge3A = arith.constant 1 : i32
      %ge3A_58 = arith.cmpi sge, %scan3A_56, %ge3A : i32
      %convert_element_type3A_59 = arith.extui %ge3A_58 : i1 to i32
      %cond3A_60 = arith.constant 0 : i32
      %cond3A_61 = arith.cmpi ne, %convert_element_type3A_59, %cond3A_60 : i32
      scf.if %cond3A_61 {
        %dma_wait3A_84 = arith.constant 0 : i32
        %dma_wait3A_85 = arith.constant 0 : i32
        %dma_wait3A_86 = tpu.memref_slice %arg6[%dma_wait3A_84, %dma_wait3A_85] : memref<125x80xi32, #tpu.memory_space<vmem>> -> memref<1x80xi32, #tpu.memory_space<vmem>>
        %dma_wait3A_87 = tpu.memref_squeeze %dma_wait3A_86 : memref<1x80xi32, #tpu.memory_space<vmem>> -> memref<80xi32, #tpu.memory_space<vmem>>
        %dma_wait3A_88 = arith.constant 0 : i32
        %dma_wait3A_89 = tpu.memref_slice %arg5[%dma_wait3A_88] : memref<10240xf32, #tpu.memory_space<vmem_shared>> -> memref<10240xf32, #tpu.memory_space<vmem_shared>>
        tpu.wait_indirect_dma semaphore(%arg9 : memref<!tpu.dma_semaphore, #tpu.memory_space<semaphore_mem>>) src(%arg7 : memref<80xf32, #tpu.memory_space<vmem>>) dst(%dma_wait3A_89 : memref<10240xf32, #tpu.memory_space<vmem_shared>>)
      } else {
      }
      %mul3A_62 = arith.constant 2 : i32
      %mul3A_63 = arith.muli %mul3A_62, %scan3A_56 : i32
      %dma_start3A_64 = arith.constant 0 : i32
      %dma_start3A_65 = tpu.memref_slice %arg6[%mul3A_63, %dma_start3A_64] : memref<125x80xi32, #tpu.memory_space<vmem>> -> memref<1x80xi32, #tpu.memory_space<vmem>>
      %dma_start3A_66 = tpu.memref_squeeze %dma_start3A_65 : memref<1x80xi32, #tpu.memory_space<vmem>> -> memref<80xi32, #tpu.memory_space<vmem>>
      %dma_start3A_67 = arith.constant 0 : i32
      %dma_start3A_68 = tpu.memref_slice %arg5[%dma_start3A_67] : memref<10240xf32, #tpu.memory_space<vmem_shared>> -> memref<10240xf32, #tpu.memory_space<vmem_shared>>
      tpu.enqueue_indirect_dma source(%arg7 : memref<80xf32, #tpu.memory_space<vmem>>) target(%dma_start3A_68 : memref<10240xf32, #tpu.memory_space<vmem_shared>>) offsets(%dma_start3A_66 : memref<80xi32, #tpu.memory_space<vmem>>) semaphore(%arg9 : memref<!tpu.dma_semaphore, #tpu.memory_space<semaphore_mem>>) {add = true}
      %ge3A_69 = arith.constant 1 : i32
      %ge3A_70 = arith.cmpi sge, %scan3A_56, %ge3A_69 : i32
      %convert_element_type3A_71 = arith.extui %ge3A_70 : i1 to i32
      %cond3A_72 = arith.constant 0 : i32
      %cond3A_73 = arith.cmpi ne, %convert_element_type3A_71, %cond3A_72 : i32
      scf.if %cond3A_73 {
        %dma_wait3A_84 = arith.constant 0 : i32
        %dma_wait3A_85 = arith.constant 0 : i32
        %dma_wait3A_86 = tpu.memref_slice %arg6[%dma_wait3A_84, %dma_wait3A_85] : memref<125x80xi32, #tpu.memory_space<vmem>> -> memref<1x80xi32, #tpu.memory_space<vmem>>
        %dma_wait3A_87 = tpu.memref_squeeze %dma_wait3A_86 : memref<1x80xi32, #tpu.memory_space<vmem>> -> memref<80xi32, #tpu.memory_space<vmem>>
        %dma_wait3A_88 = arith.constant 0 : i32
        %dma_wait3A_89 = tpu.memref_slice %arg5[%dma_wait3A_88] : memref<10240xf32, #tpu.memory_space<vmem_shared>> -> memref<10240xf32, #tpu.memory_space<vmem_shared>>
        tpu.wait_indirect_dma semaphore(%arg10 : memref<!tpu.dma_semaphore, #tpu.memory_space<semaphore_mem>>) src(%arg7 : memref<80xf32, #tpu.memory_space<vmem>>) dst(%dma_wait3A_89 : memref<10240xf32, #tpu.memory_space<vmem_shared>>)
      } else {
      }
      %mul3A_74 = arith.constant 2 : i32
      %mul3A_75 = arith.muli %mul3A_74, %scan3A_56 : i32
      %add3A_76 = arith.constant 1 : i32
      %add3A_77 = arith.addi %mul3A_75, %add3A_76 : i32
      %dma_start3A_78 = arith.constant 0 : i32
      %dma_start3A_79 = tpu.memref_slice %arg6[%add3A_77, %dma_start3A_78] : memref<125x80xi32, #tpu.memory_space<vmem>> -> memref<1x80xi32, #tpu.memory_space<vmem>>
      %dma_start3A_80 = tpu.memref_squeeze %dma_start3A_79 : memref<1x80xi32, #tpu.memory_space<vmem>> -> memref<80xi32, #tpu.memory_space<vmem>>
      %dma_start3A_81 = arith.constant 0 : i32
      %dma_start3A_82 = tpu.memref_slice %arg5[%dma_start3A_81] : memref<10240xf32, #tpu.memory_space<vmem_shared>> -> memref<10240xf32, #tpu.memory_space<vmem_shared>>
      tpu.enqueue_indirect_dma source(%arg7 : memref<80xf32, #tpu.memory_space<vmem>>) target(%dma_start3A_82 : memref<10240xf32, #tpu.memory_space<vmem_shared>>) offsets(%dma_start3A_80 : memref<80xi32, #tpu.memory_space<vmem>>) semaphore(%arg10 : memref<!tpu.dma_semaphore, #tpu.memory_space<semaphore_mem>>) {add = true}
      %scan3A_83 = arith.constant 0 : i32
      scf.yield %scan3A_83 : i32
    }
    %scan3A_25 = arith.constant 62 : i32
    %dma_wait3A = arith.constant 0 : i32
    %dma_wait3A_26 = arith.constant 0 : i32
    %dma_wait3A_27 = tpu.memref_slice %arg6[%dma_wait3A, %dma_wait3A_26] : memref<125x80xi32, #tpu.memory_space<vmem>> -> memref<1x80xi32, #tpu.memory_space<vmem>>
    %dma_wait3A_28 = tpu.memref_squeeze %dma_wait3A_27 : memref<1x80xi32, #tpu.memory_space<vmem>> -> memref<80xi32, #tpu.memory_space<vmem>>
    %dma_wait3A_29 = arith.constant 0 : i32
    %dma_wait3A_30 = tpu.memref_slice %arg5[%dma_wait3A_29] : memref<10240xf32, #tpu.memory_space<vmem_shared>> -> memref<10240xf32, #tpu.memory_space<vmem_shared>>
    tpu.wait_indirect_dma semaphore(%arg9 : memref<!tpu.dma_semaphore, #tpu.memory_space<semaphore_mem>>) src(%arg7 : memref<80xf32, #tpu.memory_space<vmem>>) dst(%dma_wait3A_30 : memref<10240xf32, #tpu.memory_space<vmem_shared>>)
    %dma_start3A = arith.constant 124 : i32
    %dma_start3A_31 = arith.constant 0 : i32
    %dma_start3A_32 = tpu.memref_slice %arg6[%dma_start3A, %dma_start3A_31] : memref<125x80xi32, #tpu.memory_space<vmem>> -> memref<1x80xi32, #tpu.memory_space<vmem>>
    %dma_start3A_33 = tpu.memref_squeeze %dma_start3A_32 : memref<1x80xi32, #tpu.memory_space<vmem>> -> memref<80xi32, #tpu.memory_space<vmem>>
    %dma_start3A_34 = arith.constant 0 : i32
    %dma_start3A_35 = tpu.memref_slice %arg5[%dma_start3A_34] : memref<10240xf32, #tpu.memory_space<vmem_shared>> -> memref<10240xf32, #tpu.memory_space<vmem_shared>>
    tpu.enqueue_indirect_dma source(%arg7 : memref<80xf32, #tpu.memory_space<vmem>>) target(%dma_start3A_35 : memref<10240xf32, #tpu.memory_space<vmem_shared>>) offsets(%dma_start3A_33 : memref<80xi32, #tpu.memory_space<vmem>>) semaphore(%arg9 : memref<!tpu.dma_semaphore, #tpu.memory_space<semaphore_mem>>) {add = true}
    %dma_wait3A_36 = arith.constant 0 : i32
    %dma_wait3A_37 = arith.constant 0 : i32
    %dma_wait3A_38 = tpu.memref_slice %arg6[%dma_wait3A_36, %dma_wait3A_37] : memref<125x80xi32, #tpu.memory_space<vmem>> -> memref<1x80xi32, #tpu.memory_space<vmem>>
    %dma_wait3A_39 = tpu.memref_squeeze %dma_wait3A_38 : memref<1x80xi32, #tpu.memory_space<vmem>> -> memref<80xi32, #tpu.memory_space<vmem>>
    %dma_wait3A_40 = arith.constant 0 : i32
    %dma_wait3A_41 = tpu.memref_slice %arg5[%dma_wait3A_40] : memref<10240xf32, #tpu.memory_space<vmem_shared>> -> memref<10240xf32, #tpu.memory_space<vmem_shared>>
    tpu.wait_indirect_dma semaphore(%arg9 : memref<!tpu.dma_semaphore, #tpu.memory_space<semaphore_mem>>) src(%arg7 : memref<80xf32, #tpu.memory_space<vmem>>) dst(%dma_wait3A_41 : memref<10240xf32, #tpu.memory_space<vmem_shared>>)
    %dma_wait3A_42 = arith.constant 0 : i32
    %dma_wait3A_43 = arith.constant 0 : i32
    %dma_wait3A_44 = tpu.memref_slice %arg6[%dma_wait3A_42, %dma_wait3A_43] : memref<125x80xi32, #tpu.memory_space<vmem>> -> memref<1x80xi32, #tpu.memory_space<vmem>>
    %dma_wait3A_45 = tpu.memref_squeeze %dma_wait3A_44 : memref<1x80xi32, #tpu.memory_space<vmem>> -> memref<80xi32, #tpu.memory_space<vmem>>
    %dma_wait3A_46 = arith.constant 0 : i32
    %dma_wait3A_47 = tpu.memref_slice %arg5[%dma_wait3A_46] : memref<10240xf32, #tpu.memory_space<vmem_shared>> -> memref<10240xf32, #tpu.memory_space<vmem_shared>>
    tpu.wait_indirect_dma semaphore(%arg10 : memref<!tpu.dma_semaphore, #tpu.memory_space<semaphore_mem>>) src(%arg7 : memref<80xf32, #tpu.memory_space<vmem>>) dst(%dma_wait3A_47 : memref<10240xf32, #tpu.memory_space<vmem_shared>>)
    %barrier3A_48 = arith.constant 0 : index
    tpu.barrier barrier_id(%barrier3A_48)
    %eq3A = arith.constant 0 : i32
    %eq3A_49 = arith.cmpi eq, %arg0, %eq3A : i32
    %convert_element_type3A = arith.extui %eq3A_49 : i1 to i32
    %cond3A = arith.constant 0 : i32
    %cond3A_50 = arith.cmpi ne, %convert_element_type3A, %cond3A : i32
    scf.if %cond3A_50 {
      %mul3A_56 = arith.constant 640 : i32
      %mul3A_57 = arith.muli %arg1, %mul3A_56 : i32
      %mul3A_58 = arith.constant 640 : i32
      %mul3A_59 = arith.muli %arg1, %mul3A_58 : i32
      "tpu.region"() ({
        %run_scoped3A = tpu.sem_alloc : memref<!tpu.dma_semaphore, #tpu.memory_space<semaphore_mem>>
        %dma_start3A_60 = tpu.memref_slice %arg3[%mul3A_59] : memref<10240xf32, #tpu.memory_space<hbm>> -> memref<640xf32, #tpu.memory_space<hbm>>
        %dma_start3A_61 = tpu.memref_slice %arg5[%mul3A_57] : memref<10240xf32, #tpu.memory_space<vmem_shared>> -> memref<640xf32, #tpu.memory_space<vmem_shared>>
        tpu.enqueue_dma source(%dma_start3A_61 : memref<640xf32, #tpu.memory_space<vmem_shared>>) target(%dma_start3A_60 : memref<640xf32, #tpu.memory_space<hbm>>) target_semaphore(%run_scoped3A : memref<!tpu.dma_semaphore, #tpu.memory_space<semaphore_mem>>)
        %dma_wait3A_62 = tpu.memref_slice %arg3[%mul3A_59] : memref<10240xf32, #tpu.memory_space<hbm>> -> memref<640xf32, #tpu.memory_space<hbm>>
        %dma_wait3A_63 = tpu.memref_slice %arg5[%mul3A_57] : memref<10240xf32, #tpu.memory_space<vmem_shared>> -> memref<640xf32, #tpu.memory_space<vmem_shared>>
        tpu.wait_dma2 semaphore(%run_scoped3A : memref<!tpu.dma_semaphore, #tpu.memory_space<semaphore_mem>>) src(%dma_wait3A_63 : memref<640xf32, #tpu.memory_space<vmem_shared>>) dst(%dma_wait3A_62 : memref<640xf32, #tpu.memory_space<hbm>>)
        tpu.yield
      }) : () -> ()
    } else {
    }
    %eq3A_51 = arith.constant 1 : i32
    %eq3A_52 = arith.cmpi eq, %arg0, %eq3A_51 : i32
    %convert_element_type3A_53 = arith.extui %eq3A_52 : i1 to i32
    %cond3A_54 = arith.constant 0 : i32
    %cond3A_55 = arith.cmpi ne, %convert_element_type3A_53, %cond3A_54 : i32
    scf.if %cond3A_55 {
      %mul3A_56 = arith.constant 640 : i32
      %mul3A_57 = arith.muli %arg1, %mul3A_56 : i32
      %mul3A_58 = arith.constant 640 : i32
      %mul3A_59 = arith.muli %arg1, %mul3A_58 : i32
      "tpu.region"() ({
        %run_scoped3A = tpu.sem_alloc : memref<!tpu.dma_semaphore, #tpu.memory_space<semaphore_mem>>
        %dma_start3A_60 = tpu.memref_slice %arg4[%mul3A_59] : memref<10240xf32, #tpu.memory_space<hbm>> -> memref<640xf32, #tpu.memory_space<hbm>>
        %dma_start3A_61 = tpu.memref_slice %arg5[%mul3A_57] : memref<10240xf32, #tpu.memory_space<vmem_shared>> -> memref<640xf32, #tpu.memory_space<vmem_shared>>
        tpu.enqueue_dma source(%dma_start3A_61 : memref<640xf32, #tpu.memory_space<vmem_shared>>) target(%dma_start3A_60 : memref<640xf32, #tpu.memory_space<hbm>>) target_semaphore(%run_scoped3A : memref<!tpu.dma_semaphore, #tpu.memory_space<semaphore_mem>>)
        %dma_wait3A_62 = tpu.memref_slice %arg4[%mul3A_59] : memref<10240xf32, #tpu.memory_space<hbm>> -> memref<640xf32, #tpu.memory_space<hbm>>
        %dma_wait3A_63 = tpu.memref_slice %arg5[%mul3A_57] : memref<10240xf32, #tpu.memory_space<vmem_shared>> -> memref<640xf32, #tpu.memory_space<vmem_shared>>
        tpu.wait_dma2 semaphore(%run_scoped3A : memref<!tpu.dma_semaphore, #tpu.memory_space<semaphore_mem>>) src(%dma_wait3A_63 : memref<640xf32, #tpu.memory_space<vmem_shared>>) dst(%dma_wait3A_62 : memref<640xf32, #tpu.memory_space<hbm>>)
        tpu.yield
      }) : () -> ()
    } else {
    }
    return
  }
}

#map = affine_map<(d0, d1) -> (0, 0)>
#map1 = affine_map<(d0, d1) -> (0, 0, 0)>
module attributes {stable_mosaic.version = 14 : i64} {
  func.func @_scatter_kernel(%arg0: i32, %arg1: i32, %arg2: memref<10000x128xf32, #tpu.memory_space<hbm>>, %arg3: memref<32x10000xi32, #tpu.memory_space<hbm>>, %arg4: memref<32x125x80xi32, #tpu.memory_space<hbm>>, %arg5: memref<10240x128xf32, #tpu.memory_space<hbm>>, %arg6: memref<10240x128xf32, #tpu.memory_space<hbm>>, %arg7: memref<10240x128xf32, #tpu.memory_space<vmem_shared>>, %arg8: memref<80x128xf32, #tpu.memory_space<vmem>>, %arg9: memref<80x128xf32, #tpu.memory_space<vmem>>, %arg10: memref<10000xi32, #tpu.memory_space<vmem>>, %arg11: memref<125x80xi32, #tpu.memory_space<vmem>>, %arg12: memref<!tpu.dma_semaphore, #tpu.memory_space<semaphore_mem>>, %arg13: memref<!tpu.dma_semaphore, #tpu.memory_space<semaphore_mem>>, %arg14: memref<!tpu.dma_semaphore, #tpu.memory_space<semaphore_mem>>, %arg15: memref<!tpu.dma_semaphore, #tpu.memory_space<semaphore_mem>>) attributes {dimension_semantics = [#tpu.dimension_semantics<core_parallel>, #tpu.dimension_semantics<subcore_parallel>], iteration_bounds = array<i64: 2, 16>, scalar_prefetch = 0 : i64, scratch_operands = 9 : i64, tpu.core_type = #tpu.core_type<sc_vector_subcore>, window_params = [{transform_indices = #map}, {transform_indices = #map}, {transform_indices = #map1}, {transform_indices = #map}, {transform_indices = #map}]} {
    %mul3A = arith.constant 16 : i32
    %mul3A_0 = arith.muli %arg0, %mul3A : i32
    %add3A = arith.addi %mul3A_0, %arg1 : i32
    "tpu.region"() ({
      %run_scoped3A_70 = tpu.sem_alloc : memref<!tpu.dma_semaphore, #tpu.memory_space<semaphore_mem>>
      %dma_start3A_71 = arith.constant 0 : i32
      %dma_start3A_72 = tpu.memref_slice %arg3[%add3A, %dma_start3A_71] : memref<32x10000xi32, #tpu.memory_space<hbm>> -> memref<1x10000xi32, #tpu.memory_space<hbm>>
      %dma_start3A_73 = tpu.memref_squeeze %dma_start3A_72 : memref<1x10000xi32, #tpu.memory_space<hbm>> -> memref<10000xi32, #tpu.memory_space<hbm>>
      %dma_start3A_74 = arith.constant 0 : i32
      %dma_start3A_75 = tpu.memref_slice %arg3[%add3A, %dma_start3A_74] : memref<32x10000xi32, #tpu.memory_space<hbm>> -> memref<1x10000xi32, #tpu.memory_space<hbm>>
      %dma_start3A_76 = tpu.memref_squeeze %dma_start3A_75 : memref<1x10000xi32, #tpu.memory_space<hbm>> -> memref<10000xi32, #tpu.memory_space<hbm>>
      tpu.enqueue_dma source(%dma_start3A_76 : memref<10000xi32, #tpu.memory_space<hbm>>) target(%arg10 : memref<10000xi32, #tpu.memory_space<vmem>>) target_semaphore(%run_scoped3A_70 : memref<!tpu.dma_semaphore, #tpu.memory_space<semaphore_mem>>)
      %dma_wait3A_77 = arith.constant 0 : i32
      %dma_wait3A_78 = tpu.memref_slice %arg3[%add3A, %dma_wait3A_77] : memref<32x10000xi32, #tpu.memory_space<hbm>> -> memref<1x10000xi32, #tpu.memory_space<hbm>>
      %dma_wait3A_79 = tpu.memref_squeeze %dma_wait3A_78 : memref<1x10000xi32, #tpu.memory_space<hbm>> -> memref<10000xi32, #tpu.memory_space<hbm>>
      %dma_wait3A_80 = arith.constant 0 : i32
      %dma_wait3A_81 = tpu.memref_slice %arg3[%add3A, %dma_wait3A_80] : memref<32x10000xi32, #tpu.memory_space<hbm>> -> memref<1x10000xi32, #tpu.memory_space<hbm>>
      %dma_wait3A_82 = tpu.memref_squeeze %dma_wait3A_81 : memref<1x10000xi32, #tpu.memory_space<hbm>> -> memref<10000xi32, #tpu.memory_space<hbm>>
      tpu.wait_dma2 semaphore(%run_scoped3A_70 : memref<!tpu.dma_semaphore, #tpu.memory_space<semaphore_mem>>) src(%dma_wait3A_82 : memref<10000xi32, #tpu.memory_space<hbm>>) dst(%arg10 : memref<10000xi32, #tpu.memory_space<vmem>>)
      tpu.yield
    }) : () -> ()
    "tpu.region"() ({
      %run_scoped3A_70 = tpu.sem_alloc : memref<!tpu.dma_semaphore, #tpu.memory_space<semaphore_mem>>
      %dma_start3A_71 = arith.constant 0 : i32
      %dma_start3A_72 = arith.constant 0 : i32
      %dma_start3A_73 = tpu.memref_slice %arg4[%add3A, %dma_start3A_71, %dma_start3A_72] : memref<32x125x80xi32, #tpu.memory_space<hbm>> -> memref<1x125x80xi32, #tpu.memory_space<hbm>>
      %dma_start3A_74 = tpu.memref_squeeze %dma_start3A_73 : memref<1x125x80xi32, #tpu.memory_space<hbm>> -> memref<125x80xi32, #tpu.memory_space<hbm>>
      %dma_start3A_75 = arith.constant 0 : i32
      %dma_start3A_76 = arith.constant 0 : i32
      %dma_start3A_77 = tpu.memref_slice %arg4[%add3A, %dma_start3A_75, %dma_start3A_76] : memref<32x125x80xi32, #tpu.memory_space<hbm>> -> memref<1x125x80xi32, #tpu.memory_space<hbm>>
      %dma_start3A_78 = tpu.memref_squeeze %dma_start3A_77 : memref<1x125x80xi32, #tpu.memory_space<hbm>> -> memref<125x80xi32, #tpu.memory_space<hbm>>
      tpu.enqueue_dma source(%dma_start3A_78 : memref<125x80xi32, #tpu.memory_space<hbm>>) target(%arg11 : memref<125x80xi32, #tpu.memory_space<vmem>>) target_semaphore(%run_scoped3A_70 : memref<!tpu.dma_semaphore, #tpu.memory_space<semaphore_mem>>)
      %dma_wait3A_79 = arith.constant 0 : i32
      %dma_wait3A_80 = arith.constant 0 : i32
      %dma_wait3A_81 = tpu.memref_slice %arg4[%add3A, %dma_wait3A_79, %dma_wait3A_80] : memref<32x125x80xi32, #tpu.memory_space<hbm>> -> memref<1x125x80xi32, #tpu.memory_space<hbm>>
      %dma_wait3A_82 = tpu.memref_squeeze %dma_wait3A_81 : memref<1x125x80xi32, #tpu.memory_space<hbm>> -> memref<125x80xi32, #tpu.memory_space<hbm>>
      %dma_wait3A_83 = arith.constant 0 : i32
      %dma_wait3A_84 = arith.constant 0 : i32
      %dma_wait3A_85 = tpu.memref_slice %arg4[%add3A, %dma_wait3A_83, %dma_wait3A_84] : memref<32x125x80xi32, #tpu.memory_space<hbm>> -> memref<1x125x80xi32, #tpu.memory_space<hbm>>
      %dma_wait3A_86 = tpu.memref_squeeze %dma_wait3A_85 : memref<1x125x80xi32, #tpu.memory_space<hbm>> -> memref<125x80xi32, #tpu.memory_space<hbm>>
      tpu.wait_dma2 semaphore(%run_scoped3A_70 : memref<!tpu.dma_semaphore, #tpu.memory_space<semaphore_mem>>) src(%dma_wait3A_86 : memref<125x80xi32, #tpu.memory_space<hbm>>) dst(%arg11 : memref<125x80xi32, #tpu.memory_space<vmem>>)
      tpu.yield
    }) : () -> ()
    %broadcast_in_dim3A = arith.constant 0.000000e+00 : f32
    %broadcast_in_dim3A_1 = vector.broadcast %broadcast_in_dim3A : f32 to vector<16xf32>
    %scan3A = arith.constant 0 : i32
    %scan3A_2 = arith.constant 0 : i32
    %scan3A_3 = arith.constant 640 : i32
    %scan3A_4 = arith.addi %scan3A_2, %scan3A_3 : i32
    %scan3A_5 = arith.constant 1 : i32
    %scan3A_6 = scf.for %scan3A_70 = %scan3A_2 to %scan3A_4 step %scan3A_5 iter_args(%scan3A_71 = %scan3A) -> (i32)  : i32 {
      %jit3A = arith.constant 8 : i32
      %div3A = arith.divsi %scan3A_70, %jit3A : i32
      %sign3A = arith.constant 0 : i32
      %sign3A_72 = arith.cmpi sgt, %scan3A_70, %sign3A : i32
      %sign3A_73 = arith.extui %sign3A_72 : i1 to i32
      %sign3A_74 = arith.constant 0 : i32
      %sign3A_75 = arith.cmpi slt, %scan3A_70, %sign3A_74 : i32
      %sign3A_76 = arith.extui %sign3A_75 : i1 to i32
      %sign3A_77 = arith.subi %sign3A_73, %sign3A_76 : i32
      %sign3A_78 = arith.constant 0 : i32
      %sign3A_79 = arith.cmpi sgt, %jit3A, %sign3A_78 : i32
      %sign3A_80 = arith.extui %sign3A_79 : i1 to i32
      %sign3A_81 = arith.constant 0 : i32
      %sign3A_82 = arith.cmpi slt, %jit3A, %sign3A_81 : i32
      %sign3A_83 = arith.extui %sign3A_82 : i1 to i32
      %sign3A_84 = arith.subi %sign3A_80, %sign3A_83 : i32
      %ne3A = arith.cmpi ne, %sign3A_77, %sign3A_84 : i32
      %rem3A = arith.remsi %scan3A_70, %jit3A : i32
      %ne3A_85 = arith.constant 0 : i32
      %ne3A_86 = arith.cmpi ne, %rem3A, %ne3A_85 : i32
      %and3A = arith.andi %ne3A, %ne3A_86 : i1
      %sub3A = arith.constant 1 : i32
      %sub3A_87 = arith.subi %div3A, %sub3A : i32
      %select_n3A = arith.select %and3A, %sub3A_87, %div3A : i32
      %jit3A_88 = arith.constant 8 : i32
      %eq3A_89 = arith.constant 0 : i32
      %eq3A_90 = arith.cmpi eq, %jit3A_88, %eq3A_89 : i32
      %jit3A_91 = arith.constant 1 : i32
      %select_n3A_92 = arith.select %eq3A_90, %jit3A_91, %jit3A_88 : i32
      %rem3A_93 = arith.remsi %scan3A_70, %select_n3A_92 : i32
      %ne3A_94 = arith.constant 0 : i32
      %ne3A_95 = arith.cmpi ne, %rem3A_93, %ne3A_94 : i32
      %lt3A = arith.constant 0 : i32
      %lt3A_96 = arith.cmpi slt, %rem3A_93, %lt3A : i32
      %lt3A_97 = arith.constant 0 : i32
      %lt3A_98 = arith.cmpi slt, %select_n3A_92, %lt3A_97 : i32
      %ne3A_99 = arith.xori %lt3A_96, %lt3A_98 : i1
      %and3A_100 = arith.andi %ne3A_99, %ne3A_95 : i1
      %add3A_101 = arith.addi %rem3A_93, %select_n3A_92 : i32
      %select_n3A_102 = arith.select %and3A_100, %add3A_101, %rem3A_93 : i32
      %mul3A_103 = arith.constant 16 : i32
      %mul3A_104 = arith.muli %select_n3A_102, %mul3A_103 : i32
      %swap3A = arith.index_cast %select_n3A : i32 to index
      %swap3A_105 = arith.index_cast %mul3A_104 : i32 to index
      %swap3A_106 = tpu.vector_load %arg8[%swap3A, %swap3A_105] {strides = array<i32>} : memref<80x128xf32, #tpu.memory_space<vmem>>, vector<1x16xf32>,
      %swap3A_107 = vector.shape_cast %swap3A_106 : vector<1x16xf32> to vector<16xf32>
      %swap3A_108 = vector.shape_cast %broadcast_in_dim3A_1 : vector<16xf32> to vector<1x16xf32>
      tpu.vector_store %arg8[%swap3A, %swap3A_105], %swap3A_108 {strides = array<i32>} : memref<80x128xf32, #tpu.memory_space<vmem>>, vector<1x16xf32>,
      %scan3A_109 = arith.constant 0 : i32
      scf.yield %scan3A_109 : i32
    }
    %scan3A_7 = arith.constant 640 : i32
    %mul3A_8 = arith.constant 640 : i32
    %mul3A_9 = arith.muli %arg1, %mul3A_8 : i32
    %add3A_10 = arith.constant 0 : i32
    %add3A_11 = arith.addi %mul3A_9, %add3A_10 : i32
    "tpu.region"() ({
      %run_scoped3A_70 = tpu.sem_alloc : memref<!tpu.dma_semaphore, #tpu.memory_space<semaphore_mem>>
      %dma_start3A_71 = arith.constant 0 : i32
      %dma_start3A_72 = arith.constant 0 : i32
      %dma_start3A_73 = tpu.memref_slice %arg8[%dma_start3A_71, %dma_start3A_72] : memref<80x128xf32, #tpu.memory_space<vmem>> -> memref<80x128xf32, #tpu.memory_space<vmem>>
      %dma_start3A_74 = arith.constant 0 : i32
      %dma_start3A_75 = tpu.memref_slice %arg7[%add3A_11, %dma_start3A_74] : memref<10240x128xf32, #tpu.memory_space<vmem_shared>> -> memref<80x128xf32, #tpu.memory_space<vmem_shared>>
      %dma_start3A_76 = arith.constant 0 : i32
      %dma_start3A_77 = tpu.memref_slice %arg7[%add3A_11, %dma_start3A_76] : memref<10240x128xf32, #tpu.memory_space<vmem_shared>> -> memref<80x128xf32, #tpu.memory_space<vmem_shared>>
      %dma_start3A_78 = arith.constant 0 : i32
      %dma_start3A_79 = arith.constant 0 : i32
      %dma_start3A_80 = tpu.memref_slice %arg8[%dma_start3A_78, %dma_start3A_79] : memref<80x128xf32, #tpu.memory_space<vmem>> -> memref<80x128xf32, #tpu.memory_space<vmem>>
      tpu.enqueue_dma source(%dma_start3A_80 : memref<80x128xf32, #tpu.memory_space<vmem>>) target(%dma_start3A_77 : memref<80x128xf32, #tpu.memory_space<vmem_shared>>) target_semaphore(%run_scoped3A_70 : memref<!tpu.dma_semaphore, #tpu.memory_space<semaphore_mem>>)
      %dma_wait3A_81 = arith.constant 0 : i32
      %dma_wait3A_82 = arith.constant 0 : i32
      %dma_wait3A_83 = tpu.memref_slice %arg8[%dma_wait3A_81, %dma_wait3A_82] : memref<80x128xf32, #tpu.memory_space<vmem>> -> memref<80x128xf32, #tpu.memory_space<vmem>>
      %dma_wait3A_84 = arith.constant 0 : i32
      %dma_wait3A_85 = tpu.memref_slice %arg7[%add3A_11, %dma_wait3A_84] : memref<10240x128xf32, #tpu.memory_space<vmem_shared>> -> memref<80x128xf32, #tpu.memory_space<vmem_shared>>
      %dma_wait3A_86 = arith.constant 0 : i32
      %dma_wait3A_87 = tpu.memref_slice %arg7[%add3A_11, %dma_wait3A_86] : memref<10240x128xf32, #tpu.memory_space<vmem_shared>> -> memref<80x128xf32, #tpu.memory_space<vmem_shared>>
      %dma_wait3A_88 = arith.constant 0 : i32
      %dma_wait3A_89 = arith.constant 0 : i32
      %dma_wait3A_90 = tpu.memref_slice %arg8[%dma_wait3A_88, %dma_wait3A_89] : memref<80x128xf32, #tpu.memory_space<vmem>> -> memref<80x128xf32, #tpu.memory_space<vmem>>
      tpu.wait_dma2 semaphore(%run_scoped3A_70 : memref<!tpu.dma_semaphore, #tpu.memory_space<semaphore_mem>>) src(%dma_wait3A_90 : memref<80x128xf32, #tpu.memory_space<vmem>>) dst(%dma_wait3A_87 : memref<80x128xf32, #tpu.memory_space<vmem_shared>>)
      tpu.yield
    }) : () -> ()
    %mul3A_12 = arith.constant 640 : i32
    %mul3A_13 = arith.muli %arg1, %mul3A_12 : i32
    %add3A_14 = arith.constant 80 : i32
    %add3A_15 = arith.addi %mul3A_13, %add3A_14 : i32
    "tpu.region"() ({
      %run_scoped3A_70 = tpu.sem_alloc : memref<!tpu.dma_semaphore, #tpu.memory_space<semaphore_mem>>
      %dma_start3A_71 = arith.constant 0 : i32
      %dma_start3A_72 = arith.constant 0 : i32
      %dma_start3A_73 = tpu.memref_slice %arg8[%dma_start3A_71, %dma_start3A_72] : memref<80x128xf32, #tpu.memory_space<vmem>> -> memref<80x128xf32, #tpu.memory_space<vmem>>
      %dma_start3A_74 = arith.constant 0 : i32
      %dma_start3A_75 = tpu.memref_slice %arg7[%add3A_15, %dma_start3A_74] : memref<10240x128xf32, #tpu.memory_space<vmem_shared>> -> memref<80x128xf32, #tpu.memory_space<vmem_shared>>
      %dma_start3A_76 = arith.constant 0 : i32
      %dma_start3A_77 = tpu.memref_slice %arg7[%add3A_15, %dma_start3A_76] : memref<10240x128xf32, #tpu.memory_space<vmem_shared>> -> memref<80x128xf32, #tpu.memory_space<vmem_shared>>
      %dma_start3A_78 = arith.constant 0 : i32
      %dma_start3A_79 = arith.constant 0 : i32
      %dma_start3A_80 = tpu.memref_slice %arg8[%dma_start3A_78, %dma_start3A_79] : memref<80x128xf32, #tpu.memory_space<vmem>> -> memref<80x128xf32, #tpu.memory_space<vmem>>
      tpu.enqueue_dma source(%dma_start3A_80 : memref<80x128xf32, #tpu.memory_space<vmem>>) target(%dma_start3A_77 : memref<80x128xf32, #tpu.memory_space<vmem_shared>>) target_semaphore(%run_scoped3A_70 : memref<!tpu.dma_semaphore, #tpu.memory_space<semaphore_mem>>)
      %dma_wait3A_81 = arith.constant 0 : i32
      %dma_wait3A_82 = arith.constant 0 : i32
      %dma_wait3A_83 = tpu.memref_slice %arg8[%dma_wait3A_81, %dma_wait3A_82] : memref<80x128xf32, #tpu.memory_space<vmem>> -> memref<80x128xf32, #tpu.memory_space<vmem>>
      %dma_wait3A_84 = arith.constant 0 : i32
      %dma_wait3A_85 = tpu.memref_slice %arg7[%add3A_15, %dma_wait3A_84] : memref<10240x128xf32, #tpu.memory_space<vmem_shared>> -> memref<80x128xf32, #tpu.memory_space<vmem_shared>>
      %dma_wait3A_86 = arith.constant 0 : i32
      %dma_wait3A_87 = tpu.memref_slice %arg7[%add3A_15, %dma_wait3A_86] : memref<10240x128xf32, #tpu.memory_space<vmem_shared>> -> memref<80x128xf32, #tpu.memory_space<vmem_shared>>
      %dma_wait3A_88 = arith.constant 0 : i32
      %dma_wait3A_89 = arith.constant 0 : i32
      %dma_wait3A_90 = tpu.memref_slice %arg8[%dma_wait3A_88, %dma_wait3A_89] : memref<80x128xf32, #tpu.memory_space<vmem>> -> memref<80x128xf32, #tpu.memory_space<vmem>>
      tpu.wait_dma2 semaphore(%run_scoped3A_70 : memref<!tpu.dma_semaphore, #tpu.memory_space<semaphore_mem>>) src(%dma_wait3A_90 : memref<80x128xf32, #tpu.memory_space<vmem>>) dst(%dma_wait3A_87 : memref<80x128xf32, #tpu.memory_space<vmem_shared>>)
      tpu.yield
    }) : () -> ()
    %mul3A_16 = arith.constant 640 : i32
    %mul3A_17 = arith.muli %arg1, %mul3A_16 : i32
    %add3A_18 = arith.constant 160 : i32
    %add3A_19 = arith.addi %mul3A_17, %add3A_18 : i32
    "tpu.region"() ({
      %run_scoped3A_70 = tpu.sem_alloc : memref<!tpu.dma_semaphore, #tpu.memory_space<semaphore_mem>>
      %dma_start3A_71 = arith.constant 0 : i32
      %dma_start3A_72 = arith.constant 0 : i32
      %dma_start3A_73 = tpu.memref_slice %arg8[%dma_start3A_71, %dma_start3A_72] : memref<80x128xf32, #tpu.memory_space<vmem>> -> memref<80x128xf32, #tpu.memory_space<vmem>>
      %dma_start3A_74 = arith.constant 0 : i32
      %dma_start3A_75 = tpu.memref_slice %arg7[%add3A_19, %dma_start3A_74] : memref<10240x128xf32, #tpu.memory_space<vmem_shared>> -> memref<80x128xf32, #tpu.memory_space<vmem_shared>>
      %dma_start3A_76 = arith.constant 0 : i32
      %dma_start3A_77 = tpu.memref_slice %arg7[%add3A_19, %dma_start3A_76] : memref<10240x128xf32, #tpu.memory_space<vmem_shared>> -> memref<80x128xf32, #tpu.memory_space<vmem_shared>>
      %dma_start3A_78 = arith.constant 0 : i32
      %dma_start3A_79 = arith.constant 0 : i32
      %dma_start3A_80 = tpu.memref_slice %arg8[%dma_start3A_78, %dma_start3A_79] : memref<80x128xf32, #tpu.memory_space<vmem>> -> memref<80x128xf32, #tpu.memory_space<vmem>>
      tpu.enqueue_dma source(%dma_start3A_80 : memref<80x128xf32, #tpu.memory_space<vmem>>) target(%dma_start3A_77 : memref<80x128xf32, #tpu.memory_space<vmem_shared>>) target_semaphore(%run_scoped3A_70 : memref<!tpu.dma_semaphore, #tpu.memory_space<semaphore_mem>>)
      %dma_wait3A_81 = arith.constant 0 : i32
      %dma_wait3A_82 = arith.constant 0 : i32
      %dma_wait3A_83 = tpu.memref_slice %arg8[%dma_wait3A_81, %dma_wait3A_82] : memref<80x128xf32, #tpu.memory_space<vmem>> -> memref<80x128xf32, #tpu.memory_space<vmem>>
      %dma_wait3A_84 = arith.constant 0 : i32
      %dma_wait3A_85 = tpu.memref_slice %arg7[%add3A_19, %dma_wait3A_84] : memref<10240x128xf32, #tpu.memory_space<vmem_shared>> -> memref<80x128xf32, #tpu.memory_space<vmem_shared>>
      %dma_wait3A_86 = arith.constant 0 : i32
      %dma_wait3A_87 = tpu.memref_slice %arg7[%add3A_19, %dma_wait3A_86] : memref<10240x128xf32, #tpu.memory_space<vmem_shared>> -> memref<80x128xf32, #tpu.memory_space<vmem_shared>>
      %dma_wait3A_88 = arith.constant 0 : i32
      %dma_wait3A_89 = arith.constant 0 : i32
      %dma_wait3A_90 = tpu.memref_slice %arg8[%dma_wait3A_88, %dma_wait3A_89] : memref<80x128xf32, #tpu.memory_space<vmem>> -> memref<80x128xf32, #tpu.memory_space<vmem>>
      tpu.wait_dma2 semaphore(%run_scoped3A_70 : memref<!tpu.dma_semaphore, #tpu.memory_space<semaphore_mem>>) src(%dma_wait3A_90 : memref<80x128xf32, #tpu.memory_space<vmem>>) dst(%dma_wait3A_87 : memref<80x128xf32, #tpu.memory_space<vmem_shared>>)
      tpu.yield
    }) : () -> ()
    %mul3A_20 = arith.constant 640 : i32
    %mul3A_21 = arith.muli %arg1, %mul3A_20 : i32
    %add3A_22 = arith.constant 240 : i32
    %add3A_23 = arith.addi %mul3A_21, %add3A_22 : i32
    "tpu.region"() ({
      %run_scoped3A_70 = tpu.sem_alloc : memref<!tpu.dma_semaphore, #tpu.memory_space<semaphore_mem>>
      %dma_start3A_71 = arith.constant 0 : i32
      %dma_start3A_72 = arith.constant 0 : i32
      %dma_start3A_73 = tpu.memref_slice %arg8[%dma_start3A_71, %dma_start3A_72] : memref<80x128xf32, #tpu.memory_space<vmem>> -> memref<80x128xf32, #tpu.memory_space<vmem>>
      %dma_start3A_74 = arith.constant 0 : i32
      %dma_start3A_75 = tpu.memref_slice %arg7[%add3A_23, %dma_start3A_74] : memref<10240x128xf32, #tpu.memory_space<vmem_shared>> -> memref<80x128xf32, #tpu.memory_space<vmem_shared>>
      %dma_start3A_76 = arith.constant 0 : i32
      %dma_start3A_77 = tpu.memref_slice %arg7[%add3A_23, %dma_start3A_76] : memref<10240x128xf32, #tpu.memory_space<vmem_shared>> -> memref<80x128xf32, #tpu.memory_space<vmem_shared>>
      %dma_start3A_78 = arith.constant 0 : i32
      %dma_start3A_79 = arith.constant 0 : i32
      %dma_start3A_80 = tpu.memref_slice %arg8[%dma_start3A_78, %dma_start3A_79] : memref<80x128xf32, #tpu.memory_space<vmem>> -> memref<80x128xf32, #tpu.memory_space<vmem>>
      tpu.enqueue_dma source(%dma_start3A_80 : memref<80x128xf32, #tpu.memory_space<vmem>>) target(%dma_start3A_77 : memref<80x128xf32, #tpu.memory_space<vmem_shared>>) target_semaphore(%run_scoped3A_70 : memref<!tpu.dma_semaphore, #tpu.memory_space<semaphore_mem>>)
      %dma_wait3A_81 = arith.constant 0 : i32
      %dma_wait3A_82 = arith.constant 0 : i32
      %dma_wait3A_83 = tpu.memref_slice %arg8[%dma_wait3A_81, %dma_wait3A_82] : memref<80x128xf32, #tpu.memory_space<vmem>> -> memref<80x128xf32, #tpu.memory_space<vmem>>
      %dma_wait3A_84 = arith.constant 0 : i32
      %dma_wait3A_85 = tpu.memref_slice %arg7[%add3A_23, %dma_wait3A_84] : memref<10240x128xf32, #tpu.memory_space<vmem_shared>> -> memref<80x128xf32, #tpu.memory_space<vmem_shared>>
      %dma_wait3A_86 = arith.constant 0 : i32
      %dma_wait3A_87 = tpu.memref_slice %arg7[%add3A_23, %dma_wait3A_86] : memref<10240x128xf32, #tpu.memory_space<vmem_shared>> -> memref<80x128xf32, #tpu.memory_space<vmem_shared>>
      %dma_wait3A_88 = arith.constant 0 : i32
      %dma_wait3A_89 = arith.constant 0 : i32
      %dma_wait3A_90 = tpu.memref_slice %arg8[%dma_wait3A_88, %dma_wait3A_89] : memref<80x128xf32, #tpu.memory_space<vmem>> -> memref<80x128xf32, #tpu.memory_space<vmem>>
      tpu.wait_dma2 semaphore(%run_scoped3A_70 : memref<!tpu.dma_semaphore, #tpu.memory_space<semaphore_mem>>) src(%dma_wait3A_90 : memref<80x128xf32, #tpu.memory_space<vmem>>) dst(%dma_wait3A_87 : memref<80x128xf32, #tpu.memory_space<vmem_shared>>)
      tpu.yield
    }) : () -> ()
    %mul3A_24 = arith.constant 640 : i32
    %mul3A_25 = arith.muli %arg1, %mul3A_24 : i32
    %add3A_26 = arith.constant 320 : i32
    %add3A_27 = arith.addi %mul3A_25, %add3A_26 : i32
    "tpu.region"() ({
      %run_scoped3A_70 = tpu.sem_alloc : memref<!tpu.dma_semaphore, #tpu.memory_space<semaphore_mem>>
      %dma_start3A_71 = arith.constant 0 : i32
      %dma_start3A_72 = arith.constant 0 : i32
      %dma_start3A_73 = tpu.memref_slice %arg8[%dma_start3A_71, %dma_start3A_72] : memref<80x128xf32, #tpu.memory_space<vmem>> -> memref<80x128xf32, #tpu.memory_space<vmem>>
      %dma_start3A_74 = arith.constant 0 : i32
      %dma_start3A_75 = tpu.memref_slice %arg7[%add3A_27, %dma_start3A_74] : memref<10240x128xf32, #tpu.memory_space<vmem_shared>> -> memref<80x128xf32, #tpu.memory_space<vmem_shared>>
      %dma_start3A_76 = arith.constant 0 : i32
      %dma_start3A_77 = tpu.memref_slice %arg7[%add3A_27, %dma_start3A_76] : memref<10240x128xf32, #tpu.memory_space<vmem_shared>> -> memref<80x128xf32, #tpu.memory_space<vmem_shared>>
      %dma_start3A_78 = arith.constant 0 : i32
      %dma_start3A_79 = arith.constant 0 : i32
      %dma_start3A_80 = tpu.memref_slice %arg8[%dma_start3A_78, %dma_start3A_79] : memref<80x128xf32, #tpu.memory_space<vmem>> -> memref<80x128xf32, #tpu.memory_space<vmem>>
      tpu.enqueue_dma source(%dma_start3A_80 : memref<80x128xf32, #tpu.memory_space<vmem>>) target(%dma_start3A_77 : memref<80x128xf32, #tpu.memory_space<vmem_shared>>) target_semaphore(%run_scoped3A_70 : memref<!tpu.dma_semaphore, #tpu.memory_space<semaphore_mem>>)
      %dma_wait3A_81 = arith.constant 0 : i32
      %dma_wait3A_82 = arith.constant 0 : i32
      %dma_wait3A_83 = tpu.memref_slice %arg8[%dma_wait3A_81, %dma_wait3A_82] : memref<80x128xf32, #tpu.memory_space<vmem>> -> memref<80x128xf32, #tpu.memory_space<vmem>>
      %dma_wait3A_84 = arith.constant 0 : i32
      %dma_wait3A_85 = tpu.memref_slice %arg7[%add3A_27, %dma_wait3A_84] : memref<10240x128xf32, #tpu.memory_space<vmem_shared>> -> memref<80x128xf32, #tpu.memory_space<vmem_shared>>
      %dma_wait3A_86 = arith.constant 0 : i32
      %dma_wait3A_87 = tpu.memref_slice %arg7[%add3A_27, %dma_wait3A_86] : memref<10240x128xf32, #tpu.memory_space<vmem_shared>> -> memref<80x128xf32, #tpu.memory_space<vmem_shared>>
      %dma_wait3A_88 = arith.constant 0 : i32
      %dma_wait3A_89 = arith.constant 0 : i32
      %dma_wait3A_90 = tpu.memref_slice %arg8[%dma_wait3A_88, %dma_wait3A_89] : memref<80x128xf32, #tpu.memory_space<vmem>> -> memref<80x128xf32, #tpu.memory_space<vmem>>
      tpu.wait_dma2 semaphore(%run_scoped3A_70 : memref<!tpu.dma_semaphore, #tpu.memory_space<semaphore_mem>>) src(%dma_wait3A_90 : memref<80x128xf32, #tpu.memory_space<vmem>>) dst(%dma_wait3A_87 : memref<80x128xf32, #tpu.memory_space<vmem_shared>>)
      tpu.yield
    }) : () -> ()
    %mul3A_28 = arith.constant 640 : i32
    %mul3A_29 = arith.muli %arg1, %mul3A_28 : i32
    %add3A_30 = arith.constant 400 : i32
    %add3A_31 = arith.addi %mul3A_29, %add3A_30 : i32
    "tpu.region"() ({
      %run_scoped3A_70 = tpu.sem_alloc : memref<!tpu.dma_semaphore, #tpu.memory_space<semaphore_mem>>
      %dma_start3A_71 = arith.constant 0 : i32
      %dma_start3A_72 = arith.constant 0 : i32
      %dma_start3A_73 = tpu.memref_slice %arg8[%dma_start3A_71, %dma_start3A_72] : memref<80x128xf32, #tpu.memory_space<vmem>> -> memref<80x128xf32, #tpu.memory_space<vmem>>
      %dma_start3A_74 = arith.constant 0 : i32
      %dma_start3A_75 = tpu.memref_slice %arg7[%add3A_31, %dma_start3A_74] : memref<10240x128xf32, #tpu.memory_space<vmem_shared>> -> memref<80x128xf32, #tpu.memory_space<vmem_shared>>
      %dma_start3A_76 = arith.constant 0 : i32
      %dma_start3A_77 = tpu.memref_slice %arg7[%add3A_31, %dma_start3A_76] : memref<10240x128xf32, #tpu.memory_space<vmem_shared>> -> memref<80x128xf32, #tpu.memory_space<vmem_shared>>
      %dma_start3A_78 = arith.constant 0 : i32
      %dma_start3A_79 = arith.constant 0 : i32
      %dma_start3A_80 = tpu.memref_slice %arg8[%dma_start3A_78, %dma_start3A_79] : memref<80x128xf32, #tpu.memory_space<vmem>> -> memref<80x128xf32, #tpu.memory_space<vmem>>
      tpu.enqueue_dma source(%dma_start3A_80 : memref<80x128xf32, #tpu.memory_space<vmem>>) target(%dma_start3A_77 : memref<80x128xf32, #tpu.memory_space<vmem_shared>>) target_semaphore(%run_scoped3A_70 : memref<!tpu.dma_semaphore, #tpu.memory_space<semaphore_mem>>)
      %dma_wait3A_81 = arith.constant 0 : i32
      %dma_wait3A_82 = arith.constant 0 : i32
      %dma_wait3A_83 = tpu.memref_slice %arg8[%dma_wait3A_81, %dma_wait3A_82] : memref<80x128xf32, #tpu.memory_space<vmem>> -> memref<80x128xf32, #tpu.memory_space<vmem>>
      %dma_wait3A_84 = arith.constant 0 : i32
      %dma_wait3A_85 = tpu.memref_slice %arg7[%add3A_31, %dma_wait3A_84] : memref<10240x128xf32, #tpu.memory_space<vmem_shared>> -> memref<80x128xf32, #tpu.memory_space<vmem_shared>>
      %dma_wait3A_86 = arith.constant 0 : i32
      %dma_wait3A_87 = tpu.memref_slice %arg7[%add3A_31, %dma_wait3A_86] : memref<10240x128xf32, #tpu.memory_space<vmem_shared>> -> memref<80x128xf32, #tpu.memory_space<vmem_shared>>
      %dma_wait3A_88 = arith.constant 0 : i32
      %dma_wait3A_89 = arith.constant 0 : i32
      %dma_wait3A_90 = tpu.memref_slice %arg8[%dma_wait3A_88, %dma_wait3A_89] : memref<80x128xf32, #tpu.memory_space<vmem>> -> memref<80x128xf32, #tpu.memory_space<vmem>>
      tpu.wait_dma2 semaphore(%run_scoped3A_70 : memref<!tpu.dma_semaphore, #tpu.memory_space<semaphore_mem>>) src(%dma_wait3A_90 : memref<80x128xf32, #tpu.memory_space<vmem>>) dst(%dma_wait3A_87 : memref<80x128xf32, #tpu.memory_space<vmem_shared>>)
      tpu.yield
    }) : () -> ()
    %mul3A_32 = arith.constant 640 : i32
    %mul3A_33 = arith.muli %arg1, %mul3A_32 : i32
    %add3A_34 = arith.constant 480 : i32
    %add3A_35 = arith.addi %mul3A_33, %add3A_34 : i32
    "tpu.region"() ({
      %run_scoped3A_70 = tpu.sem_alloc : memref<!tpu.dma_semaphore, #tpu.memory_space<semaphore_mem>>
      %dma_start3A_71 = arith.constant 0 : i32
      %dma_start3A_72 = arith.constant 0 : i32
      %dma_start3A_73 = tpu.memref_slice %arg8[%dma_start3A_71, %dma_start3A_72] : memref<80x128xf32, #tpu.memory_space<vmem>> -> memref<80x128xf32, #tpu.memory_space<vmem>>
      %dma_start3A_74 = arith.constant 0 : i32
      %dma_start3A_75 = tpu.memref_slice %arg7[%add3A_35, %dma_start3A_74] : memref<10240x128xf32, #tpu.memory_space<vmem_shared>> -> memref<80x128xf32, #tpu.memory_space<vmem_shared>>
      %dma_start3A_76 = arith.constant 0 : i32
      %dma_start3A_77 = tpu.memref_slice %arg7[%add3A_35, %dma_start3A_76] : memref<10240x128xf32, #tpu.memory_space<vmem_shared>> -> memref<80x128xf32, #tpu.memory_space<vmem_shared>>
      %dma_start3A_78 = arith.constant 0 : i32
      %dma_start3A_79 = arith.constant 0 : i32
      %dma_start3A_80 = tpu.memref_slice %arg8[%dma_start3A_78, %dma_start3A_79] : memref<80x128xf32, #tpu.memory_space<vmem>> -> memref<80x128xf32, #tpu.memory_space<vmem>>
      tpu.enqueue_dma source(%dma_start3A_80 : memref<80x128xf32, #tpu.memory_space<vmem>>) target(%dma_start3A_77 : memref<80x128xf32, #tpu.memory_space<vmem_shared>>) target_semaphore(%run_scoped3A_70 : memref<!tpu.dma_semaphore, #tpu.memory_space<semaphore_mem>>)
      %dma_wait3A_81 = arith.constant 0 : i32
      %dma_wait3A_82 = arith.constant 0 : i32
      %dma_wait3A_83 = tpu.memref_slice %arg8[%dma_wait3A_81, %dma_wait3A_82] : memref<80x128xf32, #tpu.memory_space<vmem>> -> memref<80x128xf32, #tpu.memory_space<vmem>>
      %dma_wait3A_84 = arith.constant 0 : i32
      %dma_wait3A_85 = tpu.memref_slice %arg7[%add3A_35, %dma_wait3A_84] : memref<10240x128xf32, #tpu.memory_space<vmem_shared>> -> memref<80x128xf32, #tpu.memory_space<vmem_shared>>
      %dma_wait3A_86 = arith.constant 0 : i32
      %dma_wait3A_87 = tpu.memref_slice %arg7[%add3A_35, %dma_wait3A_86] : memref<10240x128xf32, #tpu.memory_space<vmem_shared>> -> memref<80x128xf32, #tpu.memory_space<vmem_shared>>
      %dma_wait3A_88 = arith.constant 0 : i32
      %dma_wait3A_89 = arith.constant 0 : i32
      %dma_wait3A_90 = tpu.memref_slice %arg8[%dma_wait3A_88, %dma_wait3A_89] : memref<80x128xf32, #tpu.memory_space<vmem>> -> memref<80x128xf32, #tpu.memory_space<vmem>>
      tpu.wait_dma2 semaphore(%run_scoped3A_70 : memref<!tpu.dma_semaphore, #tpu.memory_space<semaphore_mem>>) src(%dma_wait3A_90 : memref<80x128xf32, #tpu.memory_space<vmem>>) dst(%dma_wait3A_87 : memref<80x128xf32, #tpu.memory_space<vmem_shared>>)
      tpu.yield
    }) : () -> ()
    %mul3A_36 = arith.constant 640 : i32
    %mul3A_37 = arith.muli %arg1, %mul3A_36 : i32
    %add3A_38 = arith.constant 560 : i32
    %add3A_39 = arith.addi %mul3A_37, %add3A_38 : i32
    "tpu.region"() ({
      %run_scoped3A_70 = tpu.sem_alloc : memref<!tpu.dma_semaphore, #tpu.memory_space<semaphore_mem>>
      %dma_start3A_71 = arith.constant 0 : i32
      %dma_start3A_72 = arith.constant 0 : i32
      %dma_start3A_73 = tpu.memref_slice %arg8[%dma_start3A_71, %dma_start3A_72] : memref<80x128xf32, #tpu.memory_space<vmem>> -> memref<80x128xf32, #tpu.memory_space<vmem>>
      %dma_start3A_74 = arith.constant 0 : i32
      %dma_start3A_75 = tpu.memref_slice %arg7[%add3A_39, %dma_start3A_74] : memref<10240x128xf32, #tpu.memory_space<vmem_shared>> -> memref<80x128xf32, #tpu.memory_space<vmem_shared>>
      %dma_start3A_76 = arith.constant 0 : i32
      %dma_start3A_77 = tpu.memref_slice %arg7[%add3A_39, %dma_start3A_76] : memref<10240x128xf32, #tpu.memory_space<vmem_shared>> -> memref<80x128xf32, #tpu.memory_space<vmem_shared>>
      %dma_start3A_78 = arith.constant 0 : i32
      %dma_start3A_79 = arith.constant 0 : i32
      %dma_start3A_80 = tpu.memref_slice %arg8[%dma_start3A_78, %dma_start3A_79] : memref<80x128xf32, #tpu.memory_space<vmem>> -> memref<80x128xf32, #tpu.memory_space<vmem>>
      tpu.enqueue_dma source(%dma_start3A_80 : memref<80x128xf32, #tpu.memory_space<vmem>>) target(%dma_start3A_77 : memref<80x128xf32, #tpu.memory_space<vmem_shared>>) target_semaphore(%run_scoped3A_70 : memref<!tpu.dma_semaphore, #tpu.memory_space<semaphore_mem>>)
      %dma_wait3A_81 = arith.constant 0 : i32
      %dma_wait3A_82 = arith.constant 0 : i32
      %dma_wait3A_83 = tpu.memref_slice %arg8[%dma_wait3A_81, %dma_wait3A_82] : memref<80x128xf32, #tpu.memory_space<vmem>> -> memref<80x128xf32, #tpu.memory_space<vmem>>
      %dma_wait3A_84 = arith.constant 0 : i32
      %dma_wait3A_85 = tpu.memref_slice %arg7[%add3A_39, %dma_wait3A_84] : memref<10240x128xf32, #tpu.memory_space<vmem_shared>> -> memref<80x128xf32, #tpu.memory_space<vmem_shared>>
      %dma_wait3A_86 = arith.constant 0 : i32
      %dma_wait3A_87 = tpu.memref_slice %arg7[%add3A_39, %dma_wait3A_86] : memref<10240x128xf32, #tpu.memory_space<vmem_shared>> -> memref<80x128xf32, #tpu.memory_space<vmem_shared>>
      %dma_wait3A_88 = arith.constant 0 : i32
      %dma_wait3A_89 = arith.constant 0 : i32
      %dma_wait3A_90 = tpu.memref_slice %arg8[%dma_wait3A_88, %dma_wait3A_89] : memref<80x128xf32, #tpu.memory_space<vmem>> -> memref<80x128xf32, #tpu.memory_space<vmem>>
      tpu.wait_dma2 semaphore(%run_scoped3A_70 : memref<!tpu.dma_semaphore, #tpu.memory_space<semaphore_mem>>) src(%dma_wait3A_90 : memref<80x128xf32, #tpu.memory_space<vmem>>) dst(%dma_wait3A_87 : memref<80x128xf32, #tpu.memory_space<vmem_shared>>)
      tpu.yield
    }) : () -> ()
    %barrier3A = arith.constant 0 : index
    tpu.barrier barrier_id(%barrier3A)
    %dma_start3A = arith.constant 0 : i32
    %dma_start3A_40 = tpu.memref_slice %arg10[%dma_start3A] : memref<10000xi32, #tpu.memory_space<vmem>> -> memref<80xi32, #tpu.memory_space<vmem>>
    %dma_start3A_41 = arith.constant 0 : i32
    %dma_start3A_42 = arith.constant 0 : i32
    %dma_start3A_43 = tpu.memref_slice %arg2[%dma_start3A_41, %dma_start3A_42] : memref<10000x128xf32, #tpu.memory_space<hbm>> -> memref<10000x128xf32, #tpu.memory_space<hbm>>
    tpu.enqueue_indirect_dma source(%dma_start3A_43 : memref<10000x128xf32, #tpu.memory_space<hbm>>) target(%arg8 : memref<80x128xf32, #tpu.memory_space<vmem>>) offsets(%dma_start3A_40 : memref<80xi32, #tpu.memory_space<vmem>>) semaphore(%arg12 : memref<!tpu.dma_semaphore, #tpu.memory_space<semaphore_mem>>)
    %dma_start3A_44 = arith.constant 80 : i32
    %dma_start3A_45 = tpu.memref_slice %arg10[%dma_start3A_44] : memref<10000xi32, #tpu.memory_space<vmem>> -> memref<80xi32, #tpu.memory_space<vmem>>
    %dma_start3A_46 = arith.constant 0 : i32
    %dma_start3A_47 = arith.constant 0 : i32
    %dma_start3A_48 = tpu.memref_slice %arg2[%dma_start3A_46, %dma_start3A_47] : memref<10000x128xf32, #tpu.memory_space<hbm>> -> memref<10000x128xf32, #tpu.memory_space<hbm>>
    tpu.enqueue_indirect_dma source(%dma_start3A_48 : memref<10000x128xf32, #tpu.memory_space<hbm>>) target(%arg9 : memref<80x128xf32, #tpu.memory_space<vmem>>) offsets(%dma_start3A_45 : memref<80xi32, #tpu.memory_space<vmem>>) semaphore(%arg13 : memref<!tpu.dma_semaphore, #tpu.memory_space<semaphore_mem>>)
    %scan3A_49 = arith.constant 0 : i32
    %scan3A_50 = arith.constant 0 : i32
    %scan3A_51 = arith.constant 62 : i32
    %scan3A_52 = arith.addi %scan3A_50, %scan3A_51 : i32
    %scan3A_53 = arith.constant 1 : i32
    %scan3A_54 = scf.for %scan3A_70 = %scan3A_50 to %scan3A_52 step %scan3A_53 iter_args(%scan3A_71 = %scan3A_49) -> (i32)  : i32 {
      %mul3A_72 = arith.constant 2 : i32
      %mul3A_73 = arith.muli %mul3A_72, %scan3A_70 : i32
      %add3A_74 = arith.constant 1 : i32
      %add3A_75 = arith.addi %mul3A_73, %add3A_74 : i32
      %mul3A_76 = arith.constant 80 : i32
      %mul3A_77 = arith.muli %mul3A_73, %mul3A_76 : i32
      %dma_wait3A_78 = tpu.memref_slice %arg10[%mul3A_77] : memref<10000xi32, #tpu.memory_space<vmem>> -> memref<80xi32, #tpu.memory_space<vmem>>
      %dma_wait3A_79 = arith.constant 0 : i32
      %dma_wait3A_80 = arith.constant 0 : i32
      %dma_wait3A_81 = tpu.memref_slice %arg2[%dma_wait3A_79, %dma_wait3A_80] : memref<10000x128xf32, #tpu.memory_space<hbm>> -> memref<10000x128xf32, #tpu.memory_space<hbm>>
      tpu.wait_indirect_dma semaphore(%arg12 : memref<!tpu.dma_semaphore, #tpu.memory_space<semaphore_mem>>) src(%dma_wait3A_81 : memref<10000x128xf32, #tpu.memory_space<hbm>>) dst(%arg8 : memref<80x128xf32, #tpu.memory_space<vmem>>)
      "tpu.region"() ({
        %run_scoped3A_103 = tpu.sem_alloc : memref<!tpu.dma_semaphore, #tpu.memory_space<semaphore_mem>>
        %dma_start3A_104 = arith.constant 0 : i32
        %dma_start3A_105 = tpu.memref_slice %arg11[%mul3A_73, %dma_start3A_104] : memref<125x80xi32, #tpu.memory_space<vmem>> -> memref<1x80xi32, #tpu.memory_space<vmem>>
        %dma_start3A_106 = tpu.memref_squeeze %dma_start3A_105 : memref<1x80xi32, #tpu.memory_space<vmem>> -> memref<80xi32, #tpu.memory_space<vmem>>
        %dma_start3A_107 = arith.constant 0 : i32
        %dma_start3A_108 = arith.constant 0 : i32
        %dma_start3A_109 = tpu.memref_slice %arg7[%dma_start3A_107, %dma_start3A_108] : memref<10240x128xf32, #tpu.memory_space<vmem_shared>> -> memref<10240x128xf32, #tpu.memory_space<vmem_shared>>
        tpu.enqueue_indirect_dma source(%arg8 : memref<80x128xf32, #tpu.memory_space<vmem>>) target(%dma_start3A_109 : memref<10240x128xf32, #tpu.memory_space<vmem_shared>>) offsets(%dma_start3A_106 : memref<80xi32, #tpu.memory_space<vmem>>) semaphore(%run_scoped3A_103 : memref<!tpu.dma_semaphore, #tpu.memory_space<semaphore_mem>>) {add = true}
        %dma_wait3A_110 = arith.constant 0 : i32
        %dma_wait3A_111 = tpu.memref_slice %arg11[%mul3A_73, %dma_wait3A_110] : memref<125x80xi32, #tpu.memory_space<vmem>> -> memref<1x80xi32, #tpu.memory_space<vmem>>
        %dma_wait3A_112 = tpu.memref_squeeze %dma_wait3A_111 : memref<1x80xi32, #tpu.memory_space<vmem>> -> memref<80xi32, #tpu.memory_space<vmem>>
        %dma_wait3A_113 = arith.constant 0 : i32
        %dma_wait3A_114 = arith.constant 0 : i32
        %dma_wait3A_115 = tpu.memref_slice %arg7[%dma_wait3A_113, %dma_wait3A_114] : memref<10240x128xf32, #tpu.memory_space<vmem_shared>> -> memref<10240x128xf32, #tpu.memory_space<vmem_shared>>
        tpu.wait_indirect_dma semaphore(%run_scoped3A_103 : memref<!tpu.dma_semaphore, #tpu.memory_space<semaphore_mem>>) src(%arg8 : memref<80x128xf32, #tpu.memory_space<vmem>>) dst(%dma_wait3A_115 : memref<10240x128xf32, #tpu.memory_space<vmem_shared>>)
        tpu.yield
      }) : () -> ()
      %add3A_82 = arith.constant 2 : i32
      %add3A_83 = arith.addi %mul3A_73, %add3A_82 : i32
      %mul3A_84 = arith.constant 80 : i32
      %mul3A_85 = arith.muli %add3A_83, %mul3A_84 : i32
      %dma_start3A_86 = tpu.memref_slice %arg10[%mul3A_85] : memref<10000xi32, #tpu.memory_space<vmem>> -> memref<80xi32, #tpu.memory_space<vmem>>
      %dma_start3A_87 = arith.constant 0 : i32
      %dma_start3A_88 = arith.constant 0 : i32
      %dma_start3A_89 = tpu.memref_slice %arg2[%dma_start3A_87, %dma_start3A_88] : memref<10000x128xf32, #tpu.memory_space<hbm>> -> memref<10000x128xf32, #tpu.memory_space<hbm>>
      tpu.enqueue_indirect_dma source(%dma_start3A_89 : memref<10000x128xf32, #tpu.memory_space<hbm>>) target(%arg8 : memref<80x128xf32, #tpu.memory_space<vmem>>) offsets(%dma_start3A_86 : memref<80xi32, #tpu.memory_space<vmem>>) semaphore(%arg12 : memref<!tpu.dma_semaphore, #tpu.memory_space<semaphore_mem>>)
      %mul3A_90 = arith.constant 80 : i32
      %mul3A_91 = arith.muli %add3A_75, %mul3A_90 : i32
      %dma_wait3A_92 = tpu.memref_slice %arg10[%mul3A_91] : memref<10000xi32, #tpu.memory_space<vmem>> -> memref<80xi32, #tpu.memory_space<vmem>>
      %dma_wait3A_93 = arith.constant 0 : i32
      %dma_wait3A_94 = arith.constant 0 : i32
      %dma_wait3A_95 = tpu.memref_slice %arg2[%dma_wait3A_93, %dma_wait3A_94] : memref<10000x128xf32, #tpu.memory_space<hbm>> -> memref<10000x128xf32, #tpu.memory_space<hbm>>
      tpu.wait_indirect_dma semaphore(%arg13 : memref<!tpu.dma_semaphore, #tpu.memory_space<semaphore_mem>>) src(%dma_wait3A_95 : memref<10000x128xf32, #tpu.memory_space<hbm>>) dst(%arg9 : memref<80x128xf32, #tpu.memory_space<vmem>>)
      "tpu.region"() ({
        %run_scoped3A_103 = tpu.sem_alloc : memref<!tpu.dma_semaphore, #tpu.memory_space<semaphore_mem>>
        %dma_start3A_104 = arith.constant 0 : i32
        %dma_start3A_105 = tpu.memref_slice %arg11[%add3A_75, %dma_start3A_104] : memref<125x80xi32, #tpu.memory_space<vmem>> -> memref<1x80xi32, #tpu.memory_space<vmem>>
        %dma_start3A_106 = tpu.memref_squeeze %dma_start3A_105 : memref<1x80xi32, #tpu.memory_space<vmem>> -> memref<80xi32, #tpu.memory_space<vmem>>
        %dma_start3A_107 = arith.constant 0 : i32
        %dma_start3A_108 = arith.constant 0 : i32
        %dma_start3A_109 = tpu.memref_slice %arg7[%dma_start3A_107, %dma_start3A_108] : memref<10240x128xf32, #tpu.memory_space<vmem_shared>> -> memref<10240x128xf32, #tpu.memory_space<vmem_shared>>
        tpu.enqueue_indirect_dma source(%arg9 : memref<80x128xf32, #tpu.memory_space<vmem>>) target(%dma_start3A_109 : memref<10240x128xf32, #tpu.memory_space<vmem_shared>>) offsets(%dma_start3A_106 : memref<80xi32, #tpu.memory_space<vmem>>) semaphore(%run_scoped3A_103 : memref<!tpu.dma_semaphore, #tpu.memory_space<semaphore_mem>>) {add = true}
        %dma_wait3A_110 = arith.constant 0 : i32
        %dma_wait3A_111 = tpu.memref_slice %arg11[%add3A_75, %dma_wait3A_110] : memref<125x80xi32, #tpu.memory_space<vmem>> -> memref<1x80xi32, #tpu.memory_space<vmem>>
        %dma_wait3A_112 = tpu.memref_squeeze %dma_wait3A_111 : memref<1x80xi32, #tpu.memory_space<vmem>> -> memref<80xi32, #tpu.memory_space<vmem>>
        %dma_wait3A_113 = arith.constant 0 : i32
        %dma_wait3A_114 = arith.constant 0 : i32
        %dma_wait3A_115 = tpu.memref_slice %arg7[%dma_wait3A_113, %dma_wait3A_114] : memref<10240x128xf32, #tpu.memory_space<vmem_shared>> -> memref<10240x128xf32, #tpu.memory_space<vmem_shared>>
        tpu.wait_indirect_dma semaphore(%run_scoped3A_103 : memref<!tpu.dma_semaphore, #tpu.memory_space<semaphore_mem>>) src(%arg9 : memref<80x128xf32, #tpu.memory_space<vmem>>) dst(%dma_wait3A_115 : memref<10240x128xf32, #tpu.memory_space<vmem_shared>>)
        tpu.yield
      }) : () -> ()
      %add3A_96 = arith.constant 2 : i32
      %add3A_97 = arith.addi %add3A_75, %add3A_96 : i32
      %le3A = arith.constant 124 : i32
      %le3A_98 = arith.cmpi sle, %add3A_97, %le3A : i32
      %convert_element_type3A_99 = arith.extui %le3A_98 : i1 to i32
      %cond3A_100 = arith.constant 0 : i32
      %cond3A_101 = arith.cmpi ne, %convert_element_type3A_99, %cond3A_100 : i32
      scf.if %cond3A_101 {
        %add3A_103 = arith.constant 2 : i32
        %add3A_104 = arith.addi %add3A_75, %add3A_103 : i32
        %mul3A_105 = arith.constant 80 : i32
        %mul3A_106 = arith.muli %add3A_104, %mul3A_105 : i32
        %dma_start3A_107 = tpu.memref_slice %arg10[%mul3A_106] : memref<10000xi32, #tpu.memory_space<vmem>> -> memref<80xi32, #tpu.memory_space<vmem>>
        %dma_start3A_108 = arith.constant 0 : i32
        %dma_start3A_109 = arith.constant 0 : i32
        %dma_start3A_110 = tpu.memref_slice %arg2[%dma_start3A_108, %dma_start3A_109] : memref<10000x128xf32, #tpu.memory_space<hbm>> -> memref<10000x128xf32, #tpu.memory_space<hbm>>
        tpu.enqueue_indirect_dma source(%dma_start3A_110 : memref<10000x128xf32, #tpu.memory_space<hbm>>) target(%arg9 : memref<80x128xf32, #tpu.memory_space<vmem>>) offsets(%dma_start3A_107 : memref<80xi32, #tpu.memory_space<vmem>>) semaphore(%arg13 : memref<!tpu.dma_semaphore, #tpu.memory_space<semaphore_mem>>)
      } else {
      }
      %scan3A_102 = arith.constant 0 : i32
      scf.yield %scan3A_102 : i32
    }
    %scan3A_55 = arith.constant 62 : i32
    %dma_wait3A = arith.constant 9920 : i32
    %dma_wait3A_56 = tpu.memref_slice %arg10[%dma_wait3A] : memref<10000xi32, #tpu.memory_space<vmem>> -> memref<80xi32, #tpu.memory_space<vmem>>
    %dma_wait3A_57 = arith.constant 0 : i32
    %dma_wait3A_58 = arith.constant 0 : i32
    %dma_wait3A_59 = tpu.memref_slice %arg2[%dma_wait3A_57, %dma_wait3A_58] : memref<10000x128xf32, #tpu.memory_space<hbm>> -> memref<10000x128xf32, #tpu.memory_space<hbm>>
    tpu.wait_indirect_dma semaphore(%arg12 : memref<!tpu.dma_semaphore, #tpu.memory_space<semaphore_mem>>) src(%dma_wait3A_59 : memref<10000x128xf32, #tpu.memory_space<hbm>>) dst(%arg8 : memref<80x128xf32, #tpu.memory_space<vmem>>)
    %run_scoped3A = arith.constant 124 : i32
    "tpu.region"() ({
      %run_scoped3A_70 = tpu.sem_alloc : memref<!tpu.dma_semaphore, #tpu.memory_space<semaphore_mem>>
      %dma_start3A_71 = arith.constant 0 : i32
      %dma_start3A_72 = tpu.memref_slice %arg11[%run_scoped3A, %dma_start3A_71] : memref<125x80xi32, #tpu.memory_space<vmem>> -> memref<1x80xi32, #tpu.memory_space<vmem>>
      %dma_start3A_73 = tpu.memref_squeeze %dma_start3A_72 : memref<1x80xi32, #tpu.memory_space<vmem>> -> memref<80xi32, #tpu.memory_space<vmem>>
      %dma_start3A_74 = arith.constant 0 : i32
      %dma_start3A_75 = arith.constant 0 : i32
      %dma_start3A_76 = tpu.memref_slice %arg7[%dma_start3A_74, %dma_start3A_75] : memref<10240x128xf32, #tpu.memory_space<vmem_shared>> -> memref<10240x128xf32, #tpu.memory_space<vmem_shared>>
      tpu.enqueue_indirect_dma source(%arg8 : memref<80x128xf32, #tpu.memory_space<vmem>>) target(%dma_start3A_76 : memref<10240x128xf32, #tpu.memory_space<vmem_shared>>) offsets(%dma_start3A_73 : memref<80xi32, #tpu.memory_space<vmem>>) semaphore(%run_scoped3A_70 : memref<!tpu.dma_semaphore, #tpu.memory_space<semaphore_mem>>) {add = true}
      %dma_wait3A_77 = arith.constant 0 : i32
      %dma_wait3A_78 = tpu.memref_slice %arg11[%run_scoped3A, %dma_wait3A_77] : memref<125x80xi32, #tpu.memory_space<vmem>> -> memref<1x80xi32, #tpu.memory_space<vmem>>
      %dma_wait3A_79 = tpu.memref_squeeze %dma_wait3A_78 : memref<1x80xi32, #tpu.memory_space<vmem>> -> memref<80xi32, #tpu.memory_space<vmem>>
      %dma_wait3A_80 = arith.constant 0 : i32
      %dma_wait3A_81 = arith.constant 0 : i32
      %dma_wait3A_82 = tpu.memref_slice %arg7[%dma_wait3A_80, %dma_wait3A_81] : memref<10240x128xf32, #tpu.memory_space<vmem_shared>> -> memref<10240x128xf32, #tpu.memory_space<vmem_shared>>
      tpu.wait_indirect_dma semaphore(%run_scoped3A_70 : memref<!tpu.dma_semaphore, #tpu.memory_space<semaphore_mem>>) src(%arg8 : memref<80x128xf32, #tpu.memory_space<vmem>>) dst(%dma_wait3A_82 : memref<10240x128xf32, #tpu.memory_space<vmem_shared>>)
      tpu.yield
    }) : () -> ()
    %barrier3A_60 = arith.constant 0 : index
    tpu.barrier barrier_id(%barrier3A_60)
    %mul3A_61 = arith.constant 640 : i32
    %mul3A_62 = arith.muli %arg1, %mul3A_61 : i32
    %eq3A = arith.constant 0 : i32
    %eq3A_63 = arith.cmpi eq, %arg0, %eq3A : i32
    %convert_element_type3A = arith.extui %eq3A_63 : i1 to i32
    %cond3A = arith.constant 0 : i32
    %cond3A_64 = arith.cmpi ne, %convert_element_type3A, %cond3A : i32
    scf.if %cond3A_64 {
      "tpu.region"() ({
        %run_scoped3A_70 = tpu.sem_alloc : memref<!tpu.dma_semaphore, #tpu.memory_space<semaphore_mem>>
        %dma_start3A_71 = arith.constant 0 : i32
        %dma_start3A_72 = tpu.memref_slice %arg5[%mul3A_62, %dma_start3A_71] : memref<10240x128xf32, #tpu.memory_space<hbm>> -> memref<640x128xf32, #tpu.memory_space<hbm>>
        %dma_start3A_73 = arith.constant 0 : i32
        %dma_start3A_74 = tpu.memref_slice %arg7[%mul3A_62, %dma_start3A_73] : memref<10240x128xf32, #tpu.memory_space<vmem_shared>> -> memref<640x128xf32, #tpu.memory_space<vmem_shared>>
        tpu.enqueue_dma source(%dma_start3A_74 : memref<640x128xf32, #tpu.memory_space<vmem_shared>>) target(%dma_start3A_72 : memref<640x128xf32, #tpu.memory_space<hbm>>) target_semaphore(%run_scoped3A_70 : memref<!tpu.dma_semaphore, #tpu.memory_space<semaphore_mem>>)
        %dma_wait3A_75 = arith.constant 0 : i32
        %dma_wait3A_76 = tpu.memref_slice %arg5[%mul3A_62, %dma_wait3A_75] : memref<10240x128xf32, #tpu.memory_space<hbm>> -> memref<640x128xf32, #tpu.memory_space<hbm>>
        %dma_wait3A_77 = arith.constant 0 : i32
        %dma_wait3A_78 = tpu.memref_slice %arg7[%mul3A_62, %dma_wait3A_77] : memref<10240x128xf32, #tpu.memory_space<vmem_shared>> -> memref<640x128xf32, #tpu.memory_space<vmem_shared>>
        tpu.wait_dma2 semaphore(%run_scoped3A_70 : memref<!tpu.dma_semaphore, #tpu.memory_space<semaphore_mem>>) src(%dma_wait3A_78 : memref<640x128xf32, #tpu.memory_space<vmem_shared>>) dst(%dma_wait3A_76 : memref<640x128xf32, #tpu.memory_space<hbm>>)
        tpu.yield
      }) : () -> ()
    } else {
    }
    %eq3A_65 = arith.constant 1 : i32
    %eq3A_66 = arith.cmpi eq, %arg0, %eq3A_65 : i32
    %convert_element_type3A_67 = arith.extui %eq3A_66 : i1 to i32
    %cond3A_68 = arith.constant 0 : i32
    %cond3A_69 = arith.cmpi ne, %convert_element_type3A_67, %cond3A_68 : i32
    scf.if %cond3A_69 {
      "tpu.region"() ({
        %run_scoped3A_70 = tpu.sem_alloc : memref<!tpu.dma_semaphore, #tpu.memory_space<semaphore_mem>>
        %dma_start3A_71 = arith.constant 0 : i32
        %dma_start3A_72 = tpu.memref_slice %arg6[%mul3A_62, %dma_start3A_71] : memref<10240x128xf32, #tpu.memory_space<hbm>> -> memref<640x128xf32, #tpu.memory_space<hbm>>
        %dma_start3A_73 = arith.constant 0 : i32
        %dma_start3A_74 = tpu.memref_slice %arg7[%mul3A_62, %dma_start3A_73] : memref<10240x128xf32, #tpu.memory_space<vmem_shared>> -> memref<640x128xf32, #tpu.memory_space<vmem_shared>>
        tpu.enqueue_dma source(%dma_start3A_74 : memref<640x128xf32, #tpu.memory_space<vmem_shared>>) target(%dma_start3A_72 : memref<640x128xf32, #tpu.memory_space<hbm>>) target_semaphore(%run_scoped3A_70 : memref<!tpu.dma_semaphore, #tpu.memory_space<semaphore_mem>>)
        %dma_wait3A_75 = arith.constant 0 : i32
        %dma_wait3A_76 = tpu.memref_slice %arg6[%mul3A_62, %dma_wait3A_75] : memref<10240x128xf32, #tpu.memory_space<hbm>> -> memref<640x128xf32, #tpu.memory_space<hbm>>
        %dma_wait3A_77 = arith.constant 0 : i32
        %dma_wait3A_78 = tpu.memref_slice %arg7[%mul3A_62, %dma_wait3A_77] : memref<10240x128xf32, #tpu.memory_space<vmem_shared>> -> memref<640x128xf32, #tpu.memory_space<vmem_shared>>
        tpu.wait_dma2 semaphore(%run_scoped3A_70 : memref<!tpu.dma_semaphore, #tpu.memory_space<semaphore_mem>>) src(%dma_wait3A_78 : memref<640x128xf32, #tpu.memory_space<vmem_shared>>) dst(%dma_wait3A_76 : memref<640x128xf32, #tpu.memory_space<hbm>>)
        tpu.yield
      }) : () -> ()
    } else {
    }
    return
  }
}

module attributes {stable_mosaic.version = 14 : i64} {
  func.func @_layer1_body(%arg0: i32, %arg1: memref<400x128xf32, #tpu.memory_space<vmem>>, %arg2: memref<128x128xf32, #tpu.memory_space<vmem>>, %arg3: memref<400x1xf32, #tpu.memory_space<vmem>>, %arg4: memref<400x1xf32, #tpu.memory_space<vmem>>, %arg5: memref<400x128xf32, #tpu.memory_space<vmem>>, %arg6: memref<400x1xf32, #tpu.memory_space<vmem>>) attributes {dimension_semantics = [#tpu.dimension_semantics<arbitrary>], iteration_bounds = array<i64: 25>, scalar_prefetch = 0 : i64, scratch_operands = 0 : i64, tpu.core_type = #tpu.core_type<tc>, window_params = [{transform_indices = @transform_0, window_bounds = array<i64: 400, 128>}, {pipeline_mode = #tpu.pipeline_mode<synchronous>, transform_indices = @transform_1, window_bounds = array<i64: 128, 128>}, {transform_indices = @transform_2, window_bounds = array<i64: 400, 1>}, {transform_indices = @transform_3, window_bounds = array<i64: 400, 1>}, {transform_indices = @transform_4, window_bounds = array<i64: 400, 128>}, {transform_indices = @transform_5, window_bounds = array<i64: 400, 1>}]} {
    %get3A = arith.constant 0 : index
    %get3A_0 = arith.constant 0 : index
    %get3A_1 = vector.load %arg3[%get3A, %get3A_0] : memref<400x1xf32, #tpu.memory_space<vmem>>, vector<400x1xf32>
    %get3A_2 = arith.constant 0 : index
    %get3A_3 = arith.constant 0 : index
    %get3A_4 = vector.load %arg4[%get3A_2, %get3A_3] : memref<400x1xf32, #tpu.memory_space<vmem>>, vector<400x1xf32>
    %add3A = arith.addf %get3A_1, %get3A_4 : vector<400x1xf32>
    %add3A_5 = arith.constant 1.000000e+00 : f32
    %add3A_6 = vector.broadcast %add3A_5 : f32 to vector<400x1xf32>
    %add3A_7 = arith.addf %add3A, %add3A_6 : vector<400x1xf32>
    %rsqrt3A = math.rsqrt %add3A_7 : vector<400x1xf32>
    %get3A_8 = arith.constant 0 : index
    %get3A_9 = arith.constant 0 : index
    %get3A_10 = vector.load %arg1[%get3A_8, %get3A_9] : memref<400x128xf32, #tpu.memory_space<vmem>>, vector<400x128xf32>
    %mul3A = vector.broadcast %rsqrt3A : vector<400x1xf32> to vector<400x128xf32>
    %mul3A_11 = arith.mulf %get3A_10, %mul3A : vector<400x128xf32>
    %get3A_12 = arith.constant 0 : index
    %get3A_13 = arith.constant 0 : index
    %get3A_14 = vector.load %arg2[%get3A_12, %get3A_13] : memref<128x128xf32, #tpu.memory_space<vmem>>, vector<128x128xf32>
    %dot_general3A = arith.constant dense<0.000000e+00> : vector<400x128xf32>
    %dot_general3A_15 = tpu.matmul %mul3A_11, %get3A_14, %dot_general3A {dimension_numbers = #tpu.dot_dimension_numbers<[1], [0], [0], [1], [0, 0, 1, 1], [], []>, transpose_lhs_hint = false} : vector<400x128xf32>, vector<128x128xf32>, vector<400x128xf32> -> vector<400x128xf32>
    %swap3A = arith.constant 0 : index
    %swap3A_16 = arith.constant 0 : index
    %swap3A_17 = vector.load %arg5[%swap3A, %swap3A_16] : memref<400x128xf32, #tpu.memory_space<vmem>>, vector<400x128xf32>
    tpu.vector_store %arg5[%swap3A, %swap3A_16], %dot_general3A_15 {strides = array<i32>} : memref<400x128xf32, #tpu.memory_space<vmem>>, vector<400x128xf32>,
    %swap3A_18 = arith.constant 0 : index
    %swap3A_19 = arith.constant 0 : index
    %swap3A_20 = vector.load %arg6[%swap3A_18, %swap3A_19] : memref<400x1xf32, #tpu.memory_space<vmem>>, vector<400x1xf32>
    tpu.vector_store %arg6[%swap3A_18, %swap3A_19], %rsqrt3A {strides = array<i32>} : memref<400x1xf32, #tpu.memory_space<vmem>>, vector<400x1xf32>,
    return
  }
  func.func @transform_0(%arg0: i32) -> (i32, i32) {
    %c0_i32 = arith.constant 0 : i32
    %c0_i32_0 = arith.constant 0 : i32
    return %arg0, %c0_i32 : i32, i32
  }
  func.func @transform_1(%arg0: i32) -> (i32, i32) {
    %c0_i32 = arith.constant 0 : i32
    %c0_i32_0 = arith.constant 0 : i32
    %c0_i32_1 = arith.constant 0 : i32
    return %c0_i32, %c0_i32_0 : i32, i32
  }
  func.func @transform_2(%arg0: i32) -> (i32, i32) {
    %c0_i32 = arith.constant 0 : i32
    %c0_i32_0 = arith.constant 0 : i32
    return %arg0, %c0_i32 : i32, i32
  }
  func.func @transform_3(%arg0: i32) -> (i32, i32) {
    %c0_i32 = arith.constant 0 : i32
    %c0_i32_0 = arith.constant 0 : i32
    return %arg0, %c0_i32 : i32, i32
  }
  func.func @transform_4(%arg0: i32) -> (i32, i32) {
    %c0_i32 = arith.constant 0 : i32
    %c0_i32_0 = arith.constant 0 : i32
    return %arg0, %c0_i32 : i32, i32
  }
  func.func @transform_5(%arg0: i32) -> (i32, i32) {
    %c0_i32 = arith.constant 0 : i32
    %c0_i32_0 = arith.constant 0 : i32
    return %arg0, %c0_i32 : i32, i32
  }
}

module attributes {stable_mosaic.version = 14 : i64} {
  func.func @_mid_body(%arg0: i32, %arg1: memref<400x128xf32, #tpu.memory_space<vmem>>, %arg2: memref<400x128xf32, #tpu.memory_space<vmem>>, %arg3: memref<400x128xf32, #tpu.memory_space<vmem>>, %arg4: memref<400x1xf32, #tpu.memory_space<vmem>>, %arg5: memref<128x128xf32, #tpu.memory_space<vmem>>, %arg6: memref<1x128xf32, #tpu.memory_space<vmem>>, %arg7: memref<400x128xf32, #tpu.memory_space<vmem>>) attributes {dimension_semantics = [#tpu.dimension_semantics<arbitrary>], iteration_bounds = array<i64: 25>, scalar_prefetch = 0 : i64, scratch_operands = 0 : i64, tpu.core_type = #tpu.core_type<tc>, window_params = [{transform_indices = @transform_0, window_bounds = array<i64: 400, 128>}, {transform_indices = @transform_1, window_bounds = array<i64: 400, 128>}, {transform_indices = @transform_2, window_bounds = array<i64: 400, 128>}, {transform_indices = @transform_3, window_bounds = array<i64: 400, 1>}, {pipeline_mode = #tpu.pipeline_mode<synchronous>, transform_indices = @transform_4, window_bounds = array<i64: 128, 128>}, {pipeline_mode = #tpu.pipeline_mode<synchronous>, transform_indices = @transform_5, window_bounds = array<i64: 1, 128>}, {transform_indices = @transform_6, window_bounds = array<i64: 400, 128>}]} {
    %get3A = arith.constant 0 : index
    %get3A_0 = arith.constant 0 : index
    %get3A_1 = vector.load %arg4[%get3A, %get3A_0] : memref<400x1xf32, #tpu.memory_space<vmem>>, vector<400x1xf32>
    %get3A_2 = arith.constant 0 : index
    %get3A_3 = arith.constant 0 : index
    %get3A_4 = vector.load %arg1[%get3A_2, %get3A_3] : memref<400x128xf32, #tpu.memory_space<vmem>>, vector<400x128xf32>
    %get3A_5 = arith.constant 0 : index
    %get3A_6 = arith.constant 0 : index
    %get3A_7 = vector.load %arg2[%get3A_5, %get3A_6] : memref<400x128xf32, #tpu.memory_space<vmem>>, vector<400x128xf32>
    %add3A = arith.addf %get3A_4, %get3A_7 : vector<400x128xf32>
    %get3A_8 = arith.constant 0 : index
    %get3A_9 = arith.constant 0 : index
    %get3A_10 = vector.load %arg3[%get3A_8, %get3A_9] : memref<400x128xf32, #tpu.memory_space<vmem>>, vector<400x128xf32>
    %add3A_11 = arith.addf %add3A, %get3A_10 : vector<400x128xf32>
    %mul3A = vector.broadcast %get3A_1 : vector<400x1xf32> to vector<400x128xf32>
    %mul3A_12 = arith.mulf %mul3A, %add3A_11 : vector<400x128xf32>
    %get3A_13 = arith.constant 0 : index
    %get3A_14 = arith.constant 0 : index
    %get3A_15 = vector.load %arg6[%get3A_13, %get3A_14] : memref<1x128xf32, #tpu.memory_space<vmem>>, vector<1x128xf32>
    %add3A_16 = vector.broadcast %get3A_15 : vector<1x128xf32> to vector<400x128xf32>
    %add3A_17 = arith.addf %mul3A_12, %add3A_16 : vector<400x128xf32>
    %max3A = arith.constant 0.000000e+00 : f32
    %max3A_18 = vector.broadcast %max3A : f32 to vector<400x128xf32>
    %max3A_19 = arith.maximumf %add3A_17, %max3A_18 : vector<400x128xf32>
    %get3A_20 = arith.constant 0 : index
    %get3A_21 = arith.constant 0 : index
    %get3A_22 = vector.load %arg5[%get3A_20, %get3A_21] : memref<128x128xf32, #tpu.memory_space<vmem>>, vector<128x128xf32>
    %dot_general3A = arith.constant dense<0.000000e+00> : vector<400x128xf32>
    %dot_general3A_23 = tpu.matmul %max3A_19, %get3A_22, %dot_general3A {dimension_numbers = #tpu.dot_dimension_numbers<[1], [0], [0], [1], [0, 0, 1, 1], [], []>, transpose_lhs_hint = false} : vector<400x128xf32>, vector<128x128xf32>, vector<400x128xf32> -> vector<400x128xf32>
    %mul3A_24 = vector.broadcast %get3A_1 : vector<400x1xf32> to vector<400x128xf32>
    %mul3A_25 = arith.mulf %mul3A_24, %dot_general3A_23 : vector<400x128xf32>
    %swap3A = arith.constant 0 : index
    %swap3A_26 = arith.constant 0 : index
    %swap3A_27 = vector.load %arg7[%swap3A, %swap3A_26] : memref<400x128xf32, #tpu.memory_space<vmem>>, vector<400x128xf32>
    tpu.vector_store %arg7[%swap3A, %swap3A_26], %mul3A_25 {strides = array<i32>} : memref<400x128xf32, #tpu.memory_space<vmem>>, vector<400x128xf32>,
    return
  }
  func.func @transform_0(%arg0: i32) -> (i32, i32) {
    %c0_i32 = arith.constant 0 : i32
    %c0_i32_0 = arith.constant 0 : i32
    return %arg0, %c0_i32 : i32, i32
  }
  func.func @transform_1(%arg0: i32) -> (i32, i32) {
    %c0_i32 = arith.constant 0 : i32
    %c0_i32_0 = arith.constant 0 : i32
    return %arg0, %c0_i32 : i32, i32
  }
  func.func @transform_2(%arg0: i32) -> (i32, i32) {
    %c0_i32 = arith.constant 0 : i32
    %c0_i32_0 = arith.constant 0 : i32
    return %arg0, %c0_i32 : i32, i32
  }
  func.func @transform_3(%arg0: i32) -> (i32, i32) {
    %c0_i32 = arith.constant 0 : i32
    %c0_i32_0 = arith.constant 0 : i32
    return %arg0, %c0_i32 : i32, i32
  }
  func.func @transform_4(%arg0: i32) -> (i32, i32) {
    %c0_i32 = arith.constant 0 : i32
    %c0_i32_0 = arith.constant 0 : i32
    %c0_i32_1 = arith.constant 0 : i32
    return %c0_i32, %c0_i32_0 : i32, i32
  }
  func.func @transform_5(%arg0: i32) -> (i32, i32) {
    %c0_i32 = arith.constant 0 : i32
    %c0_i32_0 = arith.constant 0 : i32
    %c0_i32_1 = arith.constant 0 : i32
    return %c0_i32, %c0_i32_0 : i32, i32
  }
  func.func @transform_6(%arg0: i32) -> (i32, i32) {
    %c0_i32 = arith.constant 0 : i32
    %c0_i32_0 = arith.constant 0 : i32
    return %arg0, %c0_i32 : i32, i32
  }
}

module attributes {stable_mosaic.version = 14 : i64} {
  func.func @_final_body(%arg0: i32, %arg1: memref<400x128xf32, #tpu.memory_space<vmem>>, %arg2: memref<400x128xf32, #tpu.memory_space<vmem>>, %arg3: memref<400x128xf32, #tpu.memory_space<vmem>>, %arg4: memref<400x1xf32, #tpu.memory_space<vmem>>, %arg5: memref<1x128xf32, #tpu.memory_space<vmem>>, %arg6: memref<400x128xf32, #tpu.memory_space<vmem>>) attributes {dimension_semantics = [#tpu.dimension_semantics<arbitrary>], iteration_bounds = array<i64: 25>, scalar_prefetch = 0 : i64, scratch_operands = 0 : i64, tpu.core_type = #tpu.core_type<tc>, window_params = [{transform_indices = @transform_0, window_bounds = array<i64: 400, 128>}, {transform_indices = @transform_1, window_bounds = array<i64: 400, 128>}, {transform_indices = @transform_2, window_bounds = array<i64: 400, 128>}, {transform_indices = @transform_3, window_bounds = array<i64: 400, 1>}, {pipeline_mode = #tpu.pipeline_mode<synchronous>, transform_indices = @transform_4, window_bounds = array<i64: 1, 128>}, {transform_indices = @transform_5, window_bounds = array<i64: 400, 128>}]} {
    %get3A = arith.constant 0 : index
    %get3A_0 = arith.constant 0 : index
    %get3A_1 = vector.load %arg4[%get3A, %get3A_0] : memref<400x1xf32, #tpu.memory_space<vmem>>, vector<400x1xf32>
    %get3A_2 = arith.constant 0 : index
    %get3A_3 = arith.constant 0 : index
    %get3A_4 = vector.load %arg1[%get3A_2, %get3A_3] : memref<400x128xf32, #tpu.memory_space<vmem>>, vector<400x128xf32>
    %get3A_5 = arith.constant 0 : index
    %get3A_6 = arith.constant 0 : index
    %get3A_7 = vector.load %arg2[%get3A_5, %get3A_6] : memref<400x128xf32, #tpu.memory_space<vmem>>, vector<400x128xf32>
    %add3A = arith.addf %get3A_4, %get3A_7 : vector<400x128xf32>
    %get3A_8 = arith.constant 0 : index
    %get3A_9 = arith.constant 0 : index
    %get3A_10 = vector.load %arg3[%get3A_8, %get3A_9] : memref<400x128xf32, #tpu.memory_space<vmem>>, vector<400x128xf32>
    %add3A_11 = arith.addf %add3A, %get3A_10 : vector<400x128xf32>
    %mul3A = vector.broadcast %get3A_1 : vector<400x1xf32> to vector<400x128xf32>
    %mul3A_12 = arith.mulf %mul3A, %add3A_11 : vector<400x128xf32>
    %get3A_13 = arith.constant 0 : index
    %get3A_14 = arith.constant 0 : index
    %get3A_15 = vector.load %arg5[%get3A_13, %get3A_14] : memref<1x128xf32, #tpu.memory_space<vmem>>, vector<1x128xf32>
    %add3A_16 = vector.broadcast %get3A_15 : vector<1x128xf32> to vector<400x128xf32>
    %add3A_17 = arith.addf %mul3A_12, %add3A_16 : vector<400x128xf32>
    %swap3A = arith.constant 0 : index
    %swap3A_18 = arith.constant 0 : index
    %swap3A_19 = vector.load %arg6[%swap3A, %swap3A_18] : memref<400x128xf32, #tpu.memory_space<vmem>>, vector<400x128xf32>
    tpu.vector_store %arg6[%swap3A, %swap3A_18], %add3A_17 {strides = array<i32>} : memref<400x128xf32, #tpu.memory_space<vmem>>, vector<400x128xf32>,
    return
  }
  func.func @transform_0(%arg0: i32) -> (i32, i32) {
    %c0_i32 = arith.constant 0 : i32
    %c0_i32_0 = arith.constant 0 : i32
    return %arg0, %c0_i32 : i32, i32
  }
  func.func @transform_1(%arg0: i32) -> (i32, i32) {
    %c0_i32 = arith.constant 0 : i32
    %c0_i32_0 = arith.constant 0 : i32
    return %arg0, %c0_i32 : i32, i32
  }
  func.func @transform_2(%arg0: i32) -> (i32, i32) {
    %c0_i32 = arith.constant 0 : i32
    %c0_i32_0 = arith.constant 0 : i32
    return %arg0, %c0_i32 : i32, i32
  }
  func.func @transform_3(%arg0: i32) -> (i32, i32) {
    %c0_i32 = arith.constant 0 : i32
    %c0_i32_0 = arith.constant 0 : i32
    return %arg0, %c0_i32 : i32, i32
  }
  func.func @transform_4(%arg0: i32) -> (i32, i32) {
    %c0_i32 = arith.constant 0 : i32
    %c0_i32_0 = arith.constant 0 : i32
    %c0_i32_1 = arith.constant 0 : i32
    return %c0_i32, %c0_i32_0 : i32, i32
  }
  func.func @transform_5(%arg0: i32) -> (i32, i32) {
    %c0_i32 = arith.constant 0 : i32
    %c0_i32_0 = arith.constant 0 : i32
    return %arg0, %c0_i32 : i32, i32
  }
}

</mosaic_0001>

<sc_bundles>
// kernel: kernel.11.cloned.1.call-start
scs
__scs_entry_jumppad:
0x0: {  	(pc) =	sbr.rel $0x88, $3  }
0x1: {  	(tag) =	ssettag $0x0;
	lr =	simm.s32 $0x1  }
0x2: {  	[smem:$0x3F9B] =	sst lr;
	_ =	strace $0xD0000000  }
0x3: {  	_ = 	snop  }
0x4: {  	_ = 	snop  }
0x5: {  	_ = 	snop  }
0x6: {  	_ = 	snop  }
0x7: {  	_ = 	snop  }
__scs_overlays_trampoline_lowered:
0x8: {  	[smem:$0x3FAA] =	sst s0  }
0x9: {  	[smem:$0x3FAB] =	sst s1  }
0xa: {  	[smem:$0x3FAC] =	sst s2  }
0xb: {  	[smem:$0x3FAD] =	sst s3  }
0xc: {  	[smem:$0x3FAE] =	sst s4  }
0xd: {  	[smem:$0x3FAF] =	sst s5  }
0xe: {  	[smem:$0x3FB0] =	sst s6  }
0xf: {  	[smem:$0x3FB1] =	sst s7  }
0x10: {  	[smem:$0x3FB2] =	sst s8  }
0x11: {  	[smem:$0x3FB3] =	sst s9;
	s0 =	simm.s32 @!p0 $0x0  }
0x12: {  	s1 =	sld [smem:$0x3F99];
	s0 =	simm.s32 @p0 $0x1  }
0x13: {  	[smem:$0x3FB4] =	sst s0;
	s0 =	simm.s32 @!p1 $0x0  }
0x14: {  	s2 =	sld [smem:$0x3F98];
	s0 =	simm.s32 @p1 $0x1  }
0x15: {  	[smem:$0x3FB5] =	sst s0;
	s0 =	simm.s32 @!p2 $0x0  }
0x16: {  	s3 =	sld [smem:$0x3FDB];
	s0 =	simm.s32 @p2 $0x1  }
0x17: {  	s4 =	simm.s32 $0x1BF5;
	[smem:$0x3FB7] =	sst s0  }
0x18: {  	s0 =	sld [smem:$0x3F9A];
	_ =	swait.ge [sflag:s4], $0x0  }
0x19: {  	s7 =	sld [smem:$0x3F9B]  }
0x1a: {  	s8 =	sadd.s32 $0xFFFFE003, lr  }
0x1b: {  	s9 =	sadd.s32 $0xFFFFFEF7, lr;
	s5 =	simm.s32 $0xFFFFFFFF;
	p2 =	slt.u32 s8, $0xFFFFF086  }
0x1c: {  	p1 =	slt.u32 s9, $0xF7A;
	s5 =	simm.s32 @!p2 $0x0  }
0x1d: {  	s5 =	simm.s32 @p1 $0x1;
	p0 =	seq.s32 s7, s2  }
0x1e: {  	s7 =	smul.u32 @!p0 $0xF7A, s2;
	p2 =	seq.s32 @!p0 s5, $0x0  }
0x1f: {  	s9 =	smul.u32 $0xF7A, s1;
	s8 =	simm.s32 @!p0 $0x1BF5;
	p2 =	por !p2, p0  }
0x20: {  	[sflag:s8] =	ssyncset.s32 @!p0 $0xFFFFF086;
	s6 =	sadd.s32 @!p0 s3, s7;
	s7 =	simm.s32 @!p0 $0x108  }
0x21: {  	s3 =	sadd.s32 s3, s9;
	s6 =	sadd.s32 @!p0 $0x88, s6;
	s7 =	simm.s32 @p2 $0x1082  }
0x22: {  	[simem:s7], [sflag:s8] =	dma.local @!p0 [hbm:s6], $0xF7A  }
0x23: {  	s9 =	sor.u32 $0xD0000000, s2;
	s6 =	simm.s32 $0x108;
	_ =	swait.ge @!p0 [sflag:s8], $0x0  }
0x24: {  	s3 =	sadd.s32 $0x88, s3;
	s6 =	simm.s32 @!p1 $0x1082;
	[sflag:s4] =	ssyncset.s32 $0xFFFFF086  }
0x25: {  	[simem:s6], [sflag:s4] =	dma.local [hbm:s3], $0xF7A  }
0x26: {  	[smem:$0x3F9B] =	sst s1;
	(tag) =	ssettag s2;
	_ =	strace s9  }
0x27: {  	s1 =	sld [smem:$0x3FAB]  }
0x28: {  	s2 =	sld [smem:$0x3FAC]  }
0x29: {  	s4 =	sld [smem:$0x3FAE]  }
0x2a: {  	p0 =	seq.s32 s5, $0x0;
	s5 =	sld [smem:$0x3FAF]  }
0x2b: {  	s6 =	sld [smem:$0x3FB0]  }
0x2c: {  	s7 =	sld [smem:$0x3FB1]  }
0x2d: {  	s3 =	simm.s32 $0x108;
	s8 =	sld [smem:$0x3FB2]  }
0x2e: {  	s3 =	simm.s32 @!p0 $0x1082;
	s9 =	sld [smem:$0x3FB3]  }
0x2f: {  	lr =	sadd.s32 s0, s3;
	s0 =	sld [smem:$0x3FAA]  }
0x30: {  	s3 =	sld [smem:$0x3FAD]  }
0x31: {  	[smem:$0x3FB6] =	sst s10  }
0x32: {  	s10 =	sld [smem:$0x3FB4];
	_ =	sdelay $0x3  }
0x33: {  	p0 =	seq.s32 s10, $0x1;
	s10 =	sld [smem:$0x3FB6];
	_ =	sdelay $0x3  }
0x34: {  	[smem:$0x3FB6] =	sst s10  }
0x35: {  	s10 =	sld [smem:$0x3FB5];
	_ =	sdelay $0x3  }
0x36: {  	p1 =	seq.s32 s10, $0x1;
	s10 =	sld [smem:$0x3FB6];
	_ =	sdelay $0x3  }
0x37: {  	[smem:$0x3FB6] =	sst s10  }
0x38: {  	s10 =	sld [smem:$0x3FB7]  }
0x39: {  	_ = 	snop;
	(pc) =	sbr.ind lr, $3  }
0x3a: {  	_ = 	snop  }
0x3b: {  	_ = 	snop  }
0x3c: {  	p2 =	seq.s32 s10, $0x1;
	s10 =	sld [smem:$0x3FB6]  }
0x3d: {  	_ =	shalt  }
0x3e: {  	_ =	shalt  }
0x3f: {  	_ =	shalt  }
0x40: {  	_ =	shalt  }
0x41: {  	_ =	shalt  }
0x42: {  	_ =	shalt  }
0x43: {  	_ =	shalt  }
0x44: {  	_ =	shalt  }
0x45: {  	_ =	shalt  }
0x46: {  	_ =	shalt  }
0x47: {  	_ =	shalt  }
0x48: {  	_ =	shalt  }
0x49: {  	_ =	shalt  }
0x4a: {  	_ =	shalt  }
0x4b: {  	_ =	shalt  }
0x4c: {  	_ =	shalt  }
0x4d: {  	_ =	shalt  }
0x4e: {  	_ =	shalt  }
0x4f: {  	_ =	shalt  }
0x50: {  	_ =	shalt  }
0x51: {  	_ =	shalt  }
0x52: {  	_ =	shalt  }
0x53: {  	_ =	shalt  }
0x54: {  	_ =	shalt  }
0x55: {  	_ =	shalt  }
0x56: {  	_ =	shalt  }
0x57: {  	_ =	shalt  }
0x58: {  	_ =	shalt  }
0x59: {  	_ =	shalt  }
0x5a: {  	_ =	shalt  }
0x5b: {  	_ =	shalt  }
0x5c: {  	_ =	shalt  }
0x5d: {  	_ =	shalt  }
0x5e: {  	_ =	shalt  }
0x5f: {  	_ =	shalt  }
0x60: {  	_ =	shalt  }
0x61: {  	_ =	shalt  }
0x62: {  	_ =	shalt  }
0x63: {  	_ =	shalt  }
0x64: {  	_ =	shalt  }
0x65: {  	_ =	shalt  }
0x66: {  	_ =	shalt  }
0x67: {  	_ =	shalt  }
0x68: {  	_ =	shalt  }
0x69: {  	_ =	shalt  }
0x6a: {  	_ =	shalt  }
0x6b: {  	_ =	shalt  }
0x6c: {  	_ =	shalt  }
0x6d: {  	_ =	shalt  }
0x6e: {  	_ =	shalt  }
0x6f: {  	_ =	shalt  }
0x70: {  	_ =	shalt  }
0x71: {  	_ =	shalt  }
0x72: {  	_ =	shalt  }
0x73: {  	_ =	shalt  }
0x74: {  	_ =	shalt  }
0x75: {  	_ =	shalt  }
0x76: {  	_ =	shalt  }
0x77: {  	_ =	shalt  }
0x78: {  	_ =	shalt  }
0x79: {  	_ =	shalt  }
0x7a: {  	_ =	shalt  }
0x7b: {  	_ =	shalt  }
0x7c: {  	_ =	shalt  }
0x7d: {  	_ =	shalt  }
0x7e: {  	_ =	shalt  }
0x7f: {  	_ =	shalt  }
0x80: {  	_ =	shalt  }
0x81: {  	_ =	shalt  }
0x82: {  	_ =	shalt  }
0x83: {  	_ =	shalt  }
0x84: {  	_ =	shalt  }
0x85: {  	_ =	shalt  }
0x86: {  	_ =	shalt  }
0x87: {  	_ =	shalt  }
.Lfunc_end0:
.L_simem_size_0:
called_computation.1_lowered:
.L_overlay_start_0:
0x88: {  	s2 =	sld [smem:$0x3FD9]  }
0x89: {  	s3 =	sld [smem:$0x3FFE];
	_ =	sdelay $0x1  }
0x8a: {  	s1 =	srdreg.scid  }
0x8b: {  	s0 =	sand.u32 $0x1, s1  }
0x8c: {  	s17 =	sshll.u32 s0, $0xA;
	s2 =	sadd.s32 s3, s2  }
0x8d: {  	s2 =	sadd.s32 s2, s17  }
0x8e: {  	[smem:$0x3FC2] =	sst s2  }
0x8f: {  	_ = 	snop  }
0x90: {  	s2 =	sld [smem:$0x3FD0];
	(tm) =	ssettm $0x1  }
0x91: {  	s18 =	sld [smem:$0x3FFB];
	_ =	sdelay $0x3  }
0x92: {  	_ =	strace s18  }
0x93: {  	s3 =	sld [smem:$0x3FFC];
	_ =	sdelay $0x3  }
0x94: {  	_ =	strace s3  }
0x95: {  	s3 =	sld [smem:$0x3FFD];
	_ =	sdelay $0x3  }
0x96: {  	_ =	strace s3  }
0x97: {  	_ =	strace $0x8FFFFFFF  }
0x98: {  	s19 =	sld [smem:$0x3FDB];
	_ =	sdelay $0x1  }
0x99: {  	s4 =	simm.s32 $_scs_section_size  }
0x9a: {  	s5 =	simm.s32 $_size__tile_overlayer_lowered;
	s6 =	simm.s32 $_tile_overlayer_lowered  }
0x9b: {  	s22 =	simm.s32 $0x1BFF;
	s21 =	sshll.u32 s6, $0x1;
	s3 =	sadd.s32 s4, s19  }
0x9c: {  	s7 =	simm.s32 $0x0;
	s20 =	sshll.u32 s5, $0x1;
	s5 =	sadd.s32 s21, s3  }
0x9d: {  	[timem:s7], [sflag:s22] =	dma.local [hbm:s5], s20  }
0x9e: {  	_ =	swait.ge [sflag:s22], s20  }
0x9f: {  	s4 =	ssub.s32 $0x0, s20;
	[sflag:s22] =	ssyncset.done $0x0  }
0xa0: {  	[sflag:s22] =	ssyncadd.s32 s4;
	_ =	sdelay $0x1  }
0xa1: {  	s23 =	simm.s32 $0x1B8B  }
0xa2: {  	_ =	swait.ge [sflag:s23], $0x1  }
0xa3: {  	[sflag:s23] =	ssyncset.done $0x0  }
0xa4: {  	s25 =	simm.s32 $0x1B8E;
	s24 =	sld [smem:$0x3FFE];
	[sflag:s23] =	ssyncadd.s32 $0xFFFFFFFF  }
0xa5: {  	s26 =	simm.s32 $execute0_lowered;
	[smem:$0x3FD2] =	sst s25  }
0xa6: {  	s5 =	sshll.u32 s26, $0x1;
	_ =	strace $0x80000049;
	[dreg:$0x1] =	wrdreg $0xFFFFFFFF  }
0xa7: {  	s28 =	simm.s32 $_size_execute0_lowered;
	s3 =	sadd.s32 s3, s5;
	[dreg:$0x0] =	wrdreg $0x0  }
0xa8: {  	s5 =	sshll.u32 s28, $0x1;
	[dreg:$0x2] =	wrdreg s3  }
0xa9: {  	[dreg:$0x3] =	wrdreg s5  }
0xaa: {  	[dreg:$0x4] =	wrdreg $0xC0  }
0xab: {  	_ =	task [dreg:s7], $0x5FFFF  }
0xac: {  	[dreg:$0x1] =	wrdreg $0xFFFFFFFF  }
0xad: {  	[dreg:$0x0] =	wrdreg $0x60  }
0xae: {  	[dreg:$0x2] =	wrdreg s2  }
0xaf: {  	[dreg:$0x3] =	wrdreg s24  }
0xb0: {  	[dreg:$0x4] =	wrdreg $0x0  }
0xb1: {  	[dreg:$0x5] =	wrdreg $0x9  }
0xb2: {  	_ =	task.clear_ibuf [dreg:s7], $0x6FFFF;
	_ =	strace $0x90000049  }
0xb3: {  	s29 =	simm.s32 $0x9;
	_ =	strace $0x8000004B  }
0xb4: {  	_ =	swait.ge [sflag:s29], $0x1  }
0xb5: {  	[sflag:s29] =	ssyncadd.s32 $0xFFFFFFFF  }
0xb6: {  	_ =	strace $0x9000004B  }
0xb7: {  	_ =	sfence  }
0xb8: {  	s30 =	sld [smem:$0x0];
	_ =	sdelay $0x2  }
0xb9: {  	s31 =	sshll.u32 s1, $0xD;
	s1 =	sshrl.u32 s1, $0x2  }
0xba: {  	s3 =	sand.u32 $0x4000, s31;
	s1 =	sadd.s32 s1, s30  }
0xbb: {  	s0 =	sor.u32 s3, s0;
	s1 =	sshll.u32 s1, $0x11  }
0xbc: {  	s0 =	sor.u32 s1, s0  }
0xbd: {  	s0 =	sadd.s32 $0x8F2B, s0  }
0xbe: {  	[sflag:s0] =	ssyncadd.remote.s32 $0x1  }
0xbf: {  	_ =	sfence.sel $0xFFFF  }
0xc0: {  	[dreg:$0x0] =	wrdreg $0xFFFFFFFF;
	(pc) =	sbr.abs _section_cstart, $3  }
0xc1: {  	[dreg:$0x1] =	wrdreg $0xFFFFFFFF  }
0xc2: {  	_ =	task.clear_ibuf [dreg:s7], $0x2FFFF;
	_ =	strace $0x9FFFFFFF  }
0xc3: {  	(tm) =	ssettm $0x7FFFFFFF  }
tec
execute0_lowered:
.L_overlay_start_1:
0x0: {  	(tag) =	ssettag $0x1  }
0x1: {  	s1 =	rddreg [dreg:$0x0]  }
0x2: {  	s0 =	srdreg.scid;
	s2 =	rddreg [dreg:$0x1]  }
0x3: {  	s13 =	stileid.u32;
	s3 =	rddreg [dreg:$0x2]  }
0x4: {  	s19 =	simm.s32 $0x19000;
	s20 =	simm.s32 $0x3;
	s22 =	simm.s32 $0x14000  }
0x5: {  	s23 =	simm.s32 $0x50;
	s25 =	simm.s32 $0x16800;
	s28 =	simm.s32 $0x2  }
0x6: {  	s30 =	simm.s32 $0x1B6C0;
	s31 =	simm.s32 $0x1F500;
	s8 =	smul.u32 $0x50000, s13  }
0x7: {  	s0 =	sand.u32 $0x1, s0;
	s7 =	sshll.u32 s13, $0x7;
	s16 =	smul.u32 $0x2800, s13  }
0x8: {  	s4 =	sshll.u32 s0, $0x4;
	s7 =	sand.u32 $0x380, s7;
	s26 =	ssub.s32 $0x2, s0  }
0x9: {  	p0 =	seq.s32 s0, $0x1;
	s0 =	simm.s32 $0x45600;
	s5 =	sor.u32 s13, s4  }
0xa: {  	s4 =	simm.s32 $0x0;
	s9 =	sshrl.u32 s26, $0x1;
	s29 =	sshrl.u32 s8, $0x2  }
0xb: {  	s0 =	simm.s32 @!p0 $0x1D600;
	s6 =	sshrl.u32 s5, $0x3;
	[smem:$0x7FF] =	sst s4  }
0xc: {  	s5 =	sshll.u32 s5, $0xB;
	s15 =	ssub.s32 s26, s9;
	s0 =	sadd.s32 s0, s2  }
0xd: {  	s26 =	simm.s32 $0x1;
	s6 =	smul.u32 $0x13C00, s6;
	_ =	strace $0x8000004A  }
0xe: {  	s10 =	sadd.s32 s5, s2;
	s15 =	smax.u32 s15, $0x1;
	s16 =	sadd.s32 s0, s16  }
0xf: {  	s0 =	simm.s32 $0x0;
	s6 =	sor.u32 s7, s6;
	s7 =	sadd.s32 s29, s3  }
0x10: {  	s6 =	sshrl.u32 s6, $0x3;
	s8 =	sadd.s32 $0x2800, s7;
	s9 =	sadd.s32 $0x5000, s7  }
0x11: {  	s11 =	sadd.s32 $0xA000, s7;
	s12 =	sadd.s32 $0xC800, s7;
	s13 =	sadd.s32 $0xF000, s7  }
0x12: {  	s14 =	sadd.s32 $0x11800, s7;
	s6 =	sadd.s32 s6, s2;
	s2 =	simm.s32 $0x1F580  }
0x13: {  	v0 =	vimm.f32 $0.0e+00;
	s5 =	sadd.s32 $0x13800, s6;
	s6 =	sadd.s32 $0x3200, s10;
	s10 =	sadd.s32 $0x7800, s7  }
.LBB2_1:
0x14: {  	s17 =	simm.s32 $0x80;
	s18 =	simm.s32 $0x400  }
0x15: {  	[tilespmem:s19], [sflag:$0x3] =	stream.strided.gather [hbm4b:s5+s17], $0x2780, s18, s17, $0x38;
	[tilespmem:$0x1F780] =	vst v63  }
0x16: {  	_ =	swait.ge [sflag:s20], $0x2780  }
0x17: {  	[sflag:s20] =	ssyncset.done $0x0  }
0x18: {  	s21 =	simm.s32 $0x1B780;
	[sflag:s20] =	ssyncadd.s32 $0xFFFFD880  }
0x19: {  	[tilespmem:s21], [sflag:$0x3] =	stream.linear.gather [hbm4b:s6+s4], $0x3E80, $0x38;
	[tilespmem:$0x1F780] =	vst v63  }
0x1a: {  	s24 =	sand.u32 $0xFE00, s4;
	s29 =	sand.u32 $0x70, s4;
	_ =	swait.ge [sflag:s20], $0x3E80  }
0x1b: {  	s17 =	simm.s32 $0x40;
	s21 =	sshrl.u32 s24, $0x2;
	[sflag:s20] =	ssyncset.done $0x0  }
0x1c: {  	s18 =	simm.s32 $0x0;
	s21 =	sor.u32 s29, s21;
	[sflag:s20] =	ssyncadd.s32 $0xFFFFC180  }
.LBB2_2:
0x1d: {  	p0 =	sne.s32 s17, $0x9FC0  }
0x1e: {  	[tilespmem:s21+$0x14000] =	vst v0;
	s18 =	sadd.s32 $0x10, s18;
	s21 =	smov.u32 s17;
	s17 =	sadd.s32 $0x40, s17  }
.Ltmp0:
0x1f: {  	(pc) =	sbr.rel @p0 .LBB2_2-.Ltmp0, $4  }
0x20: {  	_ = 	snop  }
0x21: {  	s21 =	sand.u32 $0xFE00, s21  }
0x22: {  	s24 =	sand.u32 $0x70, s18;
	s21 =	sshrl.u32 s21, $0x2  }
0x23: {  	s21 =	sor.u32 s24, s21  }
0x24: {  	[tilespmem:s21+$0x14000] =	vst v0  }
0x25: {  	[spmem:s7] =	stream.linear.scatter [tilespmem:s22], [sflag:$0x3], $0x2800, $0x38;
	[tilespmem:$0x1F780] =	vst v63  }
0x26: {  	_ =	swait.ge [sflag:s20], $0x2800  }
0x27: {  	[sflag:s20] =	ssyncset.done $0x0  }
0x28: {  	[sflag:s20] =	ssyncadd.s32 $0xFFFFD800  }
0x29: {  	[spmem:s8] =	stream.linear.scatter [tilespmem:s22], [sflag:$0x3], $0x2800, $0x38;
	[tilespmem:$0x1F780] =	vst v63  }
0x2a: {  	_ =	swait.ge [sflag:s20], $0x2800  }
0x2b: {  	[sflag:s20] =	ssyncset.done $0x0  }
0x2c: {  	[sflag:s20] =	ssyncadd.s32 $0xFFFFD800  }
0x2d: {  	[spmem:s9] =	stream.linear.scatter [tilespmem:s22], [sflag:$0x3], $0x2800, $0x38;
	[tilespmem:$0x1F780] =	vst v63  }
0x2e: {  	_ =	swait.ge [sflag:s20], $0x2800  }
0x2f: {  	[sflag:s20] =	ssyncset.done $0x0  }
0x30: {  	[sflag:s20] =	ssyncadd.s32 $0xFFFFD800  }
0x31: {  	[spmem:s10] =	stream.linear.scatter [tilespmem:s22], [sflag:$0x3], $0x2800, $0x38;
	[tilespmem:$0x1F780] =	vst v63  }
0x32: {  	_ =	swait.ge [sflag:s20], $0x2800  }
0x33: {  	[sflag:s20] =	ssyncset.done $0x0  }
0x34: {  	[sflag:s20] =	ssyncadd.s32 $0xFFFFD800  }
0x35: {  	[spmem:s11] =	stream.linear.scatter [tilespmem:s22], [sflag:$0x3], $0x2800, $0x38;
	[tilespmem:$0x1F780] =	vst v63  }
0x36: {  	_ =	swait.ge [sflag:s20], $0x2800  }
0x37: {  	[sflag:s20] =	ssyncset.done $0x0  }
0x38: {  	[sflag:s20] =	ssyncadd.s32 $0xFFFFD800  }
0x39: {  	[spmem:s12] =	stream.linear.scatter [tilespmem:s22], [sflag:$0x3], $0x2800, $0x38;
	[tilespmem:$0x1F780] =	vst v63  }
0x3a: {  	_ =	swait.ge [sflag:s20], $0x2800  }
0x3b: {  	[sflag:s20] =	ssyncset.done $0x0  }
0x3c: {  	[sflag:s20] =	ssyncadd.s32 $0xFFFFD800  }
0x3d: {  	[spmem:s13] =	stream.linear.scatter [tilespmem:s22], [sflag:$0x3], $0x2800, $0x38;
	[tilespmem:$0x1F780] =	vst v63  }
0x3e: {  	_ =	swait.ge [sflag:s20], $0x2800  }
0x3f: {  	[sflag:s20] =	ssyncset.done $0x0  }
0x40: {  	[sflag:s20] =	ssyncadd.s32 $0xFFFFD800  }
0x41: {  	[spmem:s14] =	stream.linear.scatter [tilespmem:s22], [sflag:$0x3], $0x2800, $0x38;
	[tilespmem:$0x1F780] =	vst v63  }
0x42: {  	_ =	swait.ge [sflag:s20], $0x2800  }
0x43: {  	[sflag:s20] =	ssyncset.done $0x0  }
0x44: {  	[sflag:s20] =	ssyncadd.s32 $0xFFFFD800  }
0x45: {  	[bflag:$0x0] =	sbarrier.arrive $0xFFFF  }
0x46: {  	[tilespmem:s22], [sflag:$0x1] =	stream.indirect.gather [hbm4b:s1+s23], $0x80, s19, s23, $0xb8;
	[tilespmem:$0x1F780] =	vst v63  }
0x47: {  	s17 =	simm.s32 $0x19050  }
0x48: {  	[tilespmem:s25], [sflag:$0x2] =	stream.indirect.gather [hbm4b:s1+s23], $0x80, s17, s23, $0xb8;
	[tilespmem:$0x1F780] =	vst v63  }
0x49: {  	_ =	swait.ge [sflag:s26], $0x2800  }
0x4a: {  	[sflag:s26] =	ssyncset.done $0x0  }
0x4b: {  	s21 =	simm.s32 $0x1B780;
	[sflag:s26] =	ssyncadd.s32 $0xFFFFD800  }
0x4c: {  	[spmem:s3] =	stream.indirect.scatter.add.f32 [tilespmem:s22], [sflag:$0x3], $0x80, s21, s23, $0xb8;
	[tilespmem:$0x1F780] =	vst v63  }
0x4d: {  	_ =	swait.ge [sflag:s20], $0x2800  }
0x4e: {  	[sflag:s20] =	ssyncset.done $0x0  }
0x4f: {  	s24 =	simm.s32 $0x190A0;
	[sflag:s20] =	ssyncadd.s32 $0xFFFFD800  }
0x50: {  	[tilespmem:s22], [sflag:$0x1] =	stream.indirect.gather [hbm4b:s1+s23], $0x80, s24, s23, $0xb8;
	[tilespmem:$0x1F780] =	vst v63  }
0x51: {  	_ =	swait.ge [sflag:s28], $0x2800  }
0x52: {  	[sflag:s28] =	ssyncset.done $0x0  }
0x53: {  	s29 =	simm.s32 $0x1B800;
	[sflag:s28] =	ssyncadd.s32 $0xFFFFD800  }
0x54: {  	[spmem:s3] =	stream.indirect.scatter.add.f32 [tilespmem:s25], [sflag:$0x3], $0x80, s29, s23, $0xb8;
	[tilespmem:$0x1F780] =	vst v63  }
0x55: {  	_ =	swait.ge [sflag:s20], $0x2800  }
0x56: {  	s18 =	simm.s32 $0x400;
	[sflag:s20] =	ssyncset.done $0x0  }
0x57: {  	s17 =	simm.s32 $0x190F0;
	s21 =	simm.s32 $0x19190;
	[sflag:s20] =	ssyncadd.s32 $0xFFFFD800  }
.LBB2_4:
0x58: {  	[tilespmem:s25], [sflag:$0x2] =	stream.indirect.gather [hbm4b:s1+s23], $0x80, s17, s23, $0xb8;
	[tilespmem:$0x1F780] =	vst v63  }
0x59: {  	s24 =	smov.u32 s18;
	s17 =	smov.u32 s21  }
0x5a: {  	p0 =	sne.s32 s18, $0xF000;
	s18 =	sadd.s32 $0x400, s18;
	_ =	swait.ge [sflag:s26], $0x2800  }
0x5b: {  	s24 =	sshra.s32 s24, $0x2;
	[sflag:s26] =	ssyncset.done $0x0  }
0x5c: {  	s29 =	sadd.s32 $0x1B780, s24;
	[sflag:s26] =	ssyncadd.s32 $0xFFFFD800  }
0x5d: {  	[spmem:s3] =	stream.indirect.scatter.add.f32 [tilespmem:s22], [sflag:$0x3], $0x80, s29, s23, $0xb8;
	[tilespmem:$0x1F780] =	vst v63  }
0x5e: {  	_ =	swait.ge [sflag:s20], $0x2800  }
0x5f: {  	[sflag:s20] =	ssyncset.done $0x0  }
0x60: {  	s29 =	sadd.s32 $0xFFFFFFB0, s21;
	[sflag:s20] =	ssyncadd.s32 $0xFFFFD800  }
0x61: {  	[tilespmem:s22], [sflag:$0x1] =	stream.indirect.gather [hbm4b:s1+s23], $0x80, s29, s23, $0xb8;
	[tilespmem:$0x1F780] =	vst v63  }
0x62: {  	_ =	swait.ge [sflag:s28], $0x2800  }
0x63: {  	[sflag:s28] =	ssyncset.done $0x0  }
.Ltmp1:
0x64: {  	s24 =	sadd.s32 $0x1B800, s24;
	[sflag:s28] =	ssyncadd.s32 $0xFFFFD800;
	(pc) =	sbr.rel @p0 .LBB2_4-.Ltmp1, $4  }
0x65: {  	[spmem:s3] =	stream.indirect.scatter.add.f32 [tilespmem:s25], [sflag:$0x3], $0x80, s24, s23, $0xb8;
	[tilespmem:$0x1F780] =	vst v63  }
0x66: {  	_ =	swait.ge [sflag:s20], $0x2800  }
0x67: {  	[sflag:s20] =	ssyncset.done $0x0  }
0x68: {  	s21 =	sadd.s32 $0xA0, s21;
	[sflag:s20] =	ssyncadd.s32 $0xFFFFD800  }
0x69: {  	[tilespmem:s25], [sflag:$0x2] =	stream.indirect.gather [hbm4b:s1+s23], $0x80, s17, s23, $0xb8;
	[tilespmem:$0x1F780] =	vst v63  }
0x6a: {  	_ =	swait.ge [sflag:s26], $0x2800  }
0x6b: {  	[sflag:s26] =	ssyncset.done $0x0  }
0x6c: {  	s24 =	simm.s32 $0x1F480;
	[sflag:s26] =	ssyncadd.s32 $0xFFFFD800  }
0x6d: {  	[spmem:s3] =	stream.indirect.scatter.add.f32 [tilespmem:s22], [sflag:$0x3], $0x80, s24, s23, $0xb8;
	[tilespmem:$0x1F780] =	vst v63  }
0x6e: {  	_ =	swait.ge [sflag:s20], $0x2800  }
0x6f: {  	[sflag:s20] =	ssyncset.done $0x0  }
0x70: {  	[sflag:s20] =	ssyncadd.s32 $0xFFFFD800  }
0x71: {  	[tilespmem:s22], [sflag:$0x1] =	stream.indirect.gather [hbm4b:s1+s23], $0x80, s30, s23, $0xb8;
	[tilespmem:$0x1F780] =	vst v63  }
0x72: {  	_ =	swait.ge [sflag:s28], $0x2800  }
0x73: {  	[sflag:s28] =	ssyncset.done $0x0  }
0x74: {  	[sflag:s28] =	ssyncadd.s32 $0xFFFFD800  }
0x75: {  	[spmem:s3] =	stream.indirect.scatter.add.f32 [tilespmem:s25], [sflag:$0x3], $0x80, s31, s23, $0xb8;
	[tilespmem:$0x1F780] =	vst v63  }
0x76: {  	_ =	swait.ge [sflag:s20], $0x2800  }
0x77: {  	[sflag:s20] =	ssyncset.done $0x0  }
0x78: {  	[sflag:s20] =	ssyncadd.s32 $0xFFFFD800  }
0x79: {  	_ =	swait.ge [sflag:s26], $0x2800  }
0x7a: {  	[sflag:s26] =	ssyncset.done $0x0  }
0x7b: {  	[sflag:s26] =	ssyncadd.s32 $0xFFFFD800  }
0x7c: {  	[spmem:s3] =	stream.indirect.scatter.add.f32 [tilespmem:s22], [sflag:$0x3], $0x80, s2, s23, $0xb8;
	[tilespmem:$0x1F780] =	vst v63  }
0x7d: {  	s29 =	stileid.u32;
	_ =	swait.ge [sflag:s20], $0x2800  }
0x7e: {  	s18 =	sshrl.u32 s7, $0x3;
	s0 =	sadd.s32 $0x1, s0;
	[sflag:s20] =	ssyncset.done $0x0  }
0x7f: {  	s17 =	sshll.u32 s29, $0x6;
	p0 =	sne.s32 s0, s15;
	[sflag:s20] =	ssyncadd.s32 $0xFFFFD800  }
.Ltmp2:
0x80: {  	s17 =	sor.u32 $0x1C03, s17;
	[bflag:$0x0] =	sbarrier.arrive $0xFFFF;
	(pc) =	sbr.rel @p0 .LBB2_1-.Ltmp2, $4  }
0x81: {  	[hbm:s16], [sflag:s17] =	dma.local [spmem:s18], $0x2800  }
0x82: {  	_ =	swait.ge [sflag:s20], $0x2800  }
0x83: {  	[sflag:s20] =	ssyncset.done $0x0  }
0x84: {  	[sflag:s20] =	ssyncadd.s32 $0xFFFFD800  }
0x85: {  	_ =	sfence.sel $0x180000  }
0x86: {  	[bflag:$0x0] =	sbarrier.arrive $0xFFFF  }
0x87: {  	_ =	strace $0x9000004A  }
0x88: {  	s0 =	stileid.u32;
	[bflag:$0x2] =	sbarrier.arrive $0xFFFF  }
0x89: {  	p0 =	sne.s32 s0, $0x0;
	s0 =	rddreg [dreg:$0x3]  }
0x8a: {  	s0 =	sadd.s32 @!p0 $0x100000, s0  }
0x8b: {  	[sflag:s0] =	ssyncadd.tile.s32 @!p0 $0x1;
	_ =	shalt  }
.Lfunc_end2:
_tile_overlayer_lowered:
.L_overlay_start_2:
0x8c: {  	(tag) =	ssettag $0x2  }
0x8d: {  	s0 =	rddreg [dreg:$0x0];
	s2 =	stileid.u32  }
0x8e: {  	s1 =	rddreg [dreg:$0x1];
	p0 =	sne.s32 s2, $0x0  }
0x8f: {  	s3 =	rddreg [dreg:$0x2];
	[bflag:$0x3] =	sbarrier.arrive $0xFFFF;
	s2 =	simm.s32 @!p0 $0x1C03  }
0x90: {  	[timem:s3], [sflag:s2] =	dma.local @!p0 [hbm:s0], s1  }
0x91: {  	s0 =	simm.s32 @!p0 $0x3  }
0x92: {  	_ =	swait.ge @!p0 [sflag:s0], s1  }
0x93: {  	s1 =	ssub.s32 @!p0 $0x0, s1;
	[sflag:s0] =	ssyncset.done @!p0 $0x0  }
0x94: {  	[sflag:s0] =	ssyncadd.s32 @!p0 s1  }
0x95: {  	[bflag:$0x3] =	sbarrier.arrive $0xFFFF  }
0x96: {  	_ =	shalt  }

// kernel: kernel.14.cloned.1.call-start
scs
__scs_entry_jumppad:
0x0: {  	(pc) =	sbr.rel $0x88, $3  }
0x1: {  	(tag) =	ssettag $0x0;
	lr =	simm.s32 $0x1  }
0x2: {  	[smem:$0x3F9B] =	sst lr;
	_ =	strace $0xD0000000  }
0x3: {  	_ = 	snop  }
0x4: {  	_ = 	snop  }
0x5: {  	_ = 	snop  }
0x6: {  	_ = 	snop  }
0x7: {  	_ = 	snop  }
__scs_overlays_trampoline_lowered:
0x8: {  	[smem:$0x3FAA] =	sst s0  }
0x9: {  	[smem:$0x3FAB] =	sst s1  }
0xa: {  	[smem:$0x3FAC] =	sst s2  }
0xb: {  	[smem:$0x3FAD] =	sst s3  }
0xc: {  	[smem:$0x3FAE] =	sst s4  }
0xd: {  	[smem:$0x3FAF] =	sst s5  }
0xe: {  	[smem:$0x3FB0] =	sst s6  }
0xf: {  	[smem:$0x3FB1] =	sst s7  }
0x10: {  	[smem:$0x3FB2] =	sst s8  }
0x11: {  	[smem:$0x3FB3] =	sst s9;
	s0 =	simm.s32 @!p0 $0x0  }
0x12: {  	s1 =	sld [smem:$0x3F99];
	s0 =	simm.s32 @p0 $0x1  }
0x13: {  	[smem:$0x3FB4] =	sst s0;
	s0 =	simm.s32 @!p1 $0x0  }
0x14: {  	s2 =	sld [smem:$0x3F98];
	s0 =	simm.s32 @p1 $0x1  }
0x15: {  	[smem:$0x3FB5] =	sst s0;
	s0 =	simm.s32 @!p2 $0x0  }
0x16: {  	s3 =	sld [smem:$0x3FDB];
	s0 =	simm.s32 @p2 $0x1  }
0x17: {  	s4 =	simm.s32 $0x1BF5;
	[smem:$0x3FB7] =	sst s0  }
0x18: {  	s0 =	sld [smem:$0x3F9A];
	_ =	swait.ge [sflag:s4], $0x0  }
0x19: {  	s7 =	sld [smem:$0x3F9B]  }
0x1a: {  	s8 =	sadd.s32 $0xFFFFE003, lr  }
0x1b: {  	s9 =	sadd.s32 $0xFFFFFEF7, lr;
	s5 =	simm.s32 $0xFFFFFFFF;
	p2 =	slt.u32 s8, $0xFFFFF086  }
0x1c: {  	p1 =	slt.u32 s9, $0xF7A;
	s5 =	simm.s32 @!p2 $0x0  }
0x1d: {  	s5 =	simm.s32 @p1 $0x1;
	p0 =	seq.s32 s7, s2  }
0x1e: {  	s7 =	smul.u32 @!p0 $0xF7A, s2;
	p2 =	seq.s32 @!p0 s5, $0x0  }
0x1f: {  	s9 =	smul.u32 $0xF7A, s1;
	s8 =	simm.s32 @!p0 $0x1BF5;
	p2 =	por !p2, p0  }
0x20: {  	[sflag:s8] =	ssyncset.s32 @!p0 $0xFFFFF086;
	s6 =	sadd.s32 @!p0 s3, s7;
	s7 =	simm.s32 @!p0 $0x108  }
0x21: {  	s3 =	sadd.s32 s3, s9;
	s6 =	sadd.s32 @!p0 $0x88, s6;
	s7 =	simm.s32 @p2 $0x1082  }
0x22: {  	[simem:s7], [sflag:s8] =	dma.local @!p0 [hbm:s6], $0xF7A  }
0x23: {  	s9 =	sor.u32 $0xD0000000, s2;
	s6 =	simm.s32 $0x108;
	_ =	swait.ge @!p0 [sflag:s8], $0x0  }
0x24: {  	s3 =	sadd.s32 $0x88, s3;
	s6 =	simm.s32 @!p1 $0x1082;
	[sflag:s4] =	ssyncset.s32 $0xFFFFF086  }
0x25: {  	[simem:s6], [sflag:s4] =	dma.local [hbm:s3], $0xF7A  }
0x26: {  	[smem:$0x3F9B] =	sst s1;
	(tag) =	ssettag s2;
	_ =	strace s9  }
0x27: {  	s1 =	sld [smem:$0x3FAB]  }
0x28: {  	s2 =	sld [smem:$0x3FAC]  }
0x29: {  	s4 =	sld [smem:$0x3FAE]  }
0x2a: {  	p0 =	seq.s32 s5, $0x0;
	s5 =	sld [smem:$0x3FAF]  }
0x2b: {  	s6 =	sld [smem:$0x3FB0]  }
0x2c: {  	s7 =	sld [smem:$0x3FB1]  }
0x2d: {  	s3 =	simm.s32 $0x108;
	s8 =	sld [smem:$0x3FB2]  }
0x2e: {  	s3 =	simm.s32 @!p0 $0x1082;
	s9 =	sld [smem:$0x3FB3]  }
0x2f: {  	lr =	sadd.s32 s0, s3;
	s0 =	sld [smem:$0x3FAA]  }
0x30: {  	s3 =	sld [smem:$0x3FAD]  }
0x31: {  	[smem:$0x3FB6] =	sst s10  }
0x32: {  	s10 =	sld [smem:$0x3FB4];
	_ =	sdelay $0x3  }
0x33: {  	p0 =	seq.s32 s10, $0x1;
	s10 =	sld [smem:$0x3FB6];
	_ =	sdelay $0x3  }
0x34: {  	[smem:$0x3FB6] =	sst s10  }
0x35: {  	s10 =	sld [smem:$0x3FB5];
	_ =	sdelay $0x3  }
0x36: {  	p1 =	seq.s32 s10, $0x1;
	s10 =	sld [smem:$0x3FB6];
	_ =	sdelay $0x3  }
0x37: {  	[smem:$0x3FB6] =	sst s10  }
0x38: {  	s10 =	sld [smem:$0x3FB7]  }
0x39: {  	_ = 	snop;
	(pc) =	sbr.ind lr, $3  }
0x3a: {  	_ = 	snop  }
0x3b: {  	_ = 	snop  }
0x3c: {  	p2 =	seq.s32 s10, $0x1;
	s10 =	sld [smem:$0x3FB6]  }
0x3d: {  	_ =	shalt  }
0x3e: {  	_ =	shalt  }
0x3f: {  	_ =	shalt  }
0x40: {  	_ =	shalt  }
0x41: {  	_ =	shalt  }
0x42: {  	_ =	shalt  }
0x43: {  	_ =	shalt  }
0x44: {  	_ =	shalt  }
0x45: {  	_ =	shalt  }
0x46: {  	_ =	shalt  }
0x47: {  	_ =	shalt  }
0x48: {  	_ =	shalt  }
0x49: {  	_ =	shalt  }
0x4a: {  	_ =	shalt  }
0x4b: {  	_ =	shalt  }
0x4c: {  	_ =	shalt  }
0x4d: {  	_ =	shalt  }
0x4e: {  	_ =	shalt  }
0x4f: {  	_ =	shalt  }
0x50: {  	_ =	shalt  }
0x51: {  	_ =	shalt  }
0x52: {  	_ =	shalt  }
0x53: {  	_ =	shalt  }
0x54: {  	_ =	shalt  }
0x55: {  	_ =	shalt  }
0x56: {  	_ =	shalt  }
0x57: {  	_ =	shalt  }
0x58: {  	_ =	shalt  }
0x59: {  	_ =	shalt  }
0x5a: {  	_ =	shalt  }
0x5b: {  	_ =	shalt  }
0x5c: {  	_ =	shalt  }
0x5d: {  	_ =	shalt  }
0x5e: {  	_ =	shalt  }
0x5f: {  	_ =	shalt  }
0x60: {  	_ =	shalt  }
0x61: {  	_ =	shalt  }
0x62: {  	_ =	shalt  }
0x63: {  	_ =	shalt  }
0x64: {  	_ =	shalt  }
0x65: {  	_ =	shalt  }
0x66: {  	_ =	shalt  }
0x67: {  	_ =	shalt  }
0x68: {  	_ =	shalt  }
0x69: {  	_ =	shalt  }
0x6a: {  	_ =	shalt  }
0x6b: {  	_ =	shalt  }
0x6c: {  	_ =	shalt  }
0x6d: {  	_ =	shalt  }
0x6e: {  	_ =	shalt  }
0x6f: {  	_ =	shalt  }
0x70: {  	_ =	shalt  }
0x71: {  	_ =	shalt  }
0x72: {  	_ =	shalt  }
0x73: {  	_ =	shalt  }
0x74: {  	_ =	shalt  }
0x75: {  	_ =	shalt  }
0x76: {  	_ =	shalt  }
0x77: {  	_ =	shalt  }
0x78: {  	_ =	shalt  }
0x79: {  	_ =	shalt  }
0x7a: {  	_ =	shalt  }
0x7b: {  	_ =	shalt  }
0x7c: {  	_ =	shalt  }
0x7d: {  	_ =	shalt  }
0x7e: {  	_ =	shalt  }
0x7f: {  	_ =	shalt  }
0x80: {  	_ =	shalt  }
0x81: {  	_ =	shalt  }
0x82: {  	_ =	shalt  }
0x83: {  	_ =	shalt  }
0x84: {  	_ =	shalt  }
0x85: {  	_ =	shalt  }
0x86: {  	_ =	shalt  }
0x87: {  	_ =	shalt  }
.Lfunc_end0:
.L_simem_size_0:
called_computation.2_lowered:
.L_overlay_start_0:
0x88: {  	s2 =	sld [smem:$0x3FD9]  }
0x89: {  	s3 =	sld [smem:$0x3FFE];
	_ =	sdelay $0x1  }
0x8a: {  	s1 =	srdreg.scid  }
0x8b: {  	s0 =	sand.u32 $0x1, s1  }
0x8c: {  	s17 =	sshll.u32 s0, $0xA;
	s2 =	sadd.s32 s3, s2  }
0x8d: {  	s2 =	sadd.s32 s2, s17  }
0x8e: {  	[smem:$0x3FC2] =	sst s2  }
0x8f: {  	_ = 	snop  }
0x90: {  	s2 =	sld [smem:$0x3FD0];
	(tm) =	ssettm $0x1  }
0x91: {  	s18 =	sld [smem:$0x3FFB];
	_ =	sdelay $0x3  }
0x92: {  	_ =	strace s18  }
0x93: {  	s3 =	sld [smem:$0x3FFC];
	_ =	sdelay $0x3  }
0x94: {  	_ =	strace s3  }
0x95: {  	s3 =	sld [smem:$0x3FFD];
	_ =	sdelay $0x3  }
0x96: {  	_ =	strace s3  }
0x97: {  	_ =	strace $0x8FFFFFFF  }
0x98: {  	s19 =	sld [smem:$0x3FDB];
	_ =	sdelay $0x1  }
0x99: {  	s4 =	simm.s32 $_scs_section_size  }
0x9a: {  	s5 =	simm.s32 $_size__tile_overlayer_lowered;
	s6 =	simm.s32 $_tile_overlayer_lowered  }
0x9b: {  	s22 =	simm.s32 $0x1BFF;
	s21 =	sshll.u32 s6, $0x1;
	s3 =	sadd.s32 s4, s19  }
0x9c: {  	s7 =	simm.s32 $0x0;
	s20 =	sshll.u32 s5, $0x1;
	s5 =	sadd.s32 s21, s3  }
0x9d: {  	[timem:s7], [sflag:s22] =	dma.local [hbm:s5], s20  }
0x9e: {  	_ =	swait.ge [sflag:s22], s20  }
0x9f: {  	s4 =	ssub.s32 $0x0, s20;
	[sflag:s22] =	ssyncset.done $0x0  }
0xa0: {  	[sflag:s22] =	ssyncadd.s32 s4;
	_ =	sdelay $0x1  }
0xa1: {  	s23 =	simm.s32 $0x1B8B  }
0xa2: {  	_ =	swait.ge [sflag:s23], $0x1  }
0xa3: {  	[sflag:s23] =	ssyncset.done $0x0  }
0xa4: {  	s25 =	simm.s32 $0x1B8E;
	s24 =	sld [smem:$0x3FFE];
	[sflag:s23] =	ssyncadd.s32 $0xFFFFFFFF  }
0xa5: {  	s26 =	simm.s32 $execute0_lowered;
	[smem:$0x3FD2] =	sst s25  }
0xa6: {  	s5 =	sshll.u32 s26, $0x1;
	_ =	strace $0x8000004C;
	[dreg:$0x1] =	wrdreg $0xFFFFFFFF  }
0xa7: {  	s28 =	simm.s32 $_size_execute0_lowered;
	s3 =	sadd.s32 s3, s5;
	[dreg:$0x0] =	wrdreg $0x0  }
0xa8: {  	s5 =	sshll.u32 s28, $0x1;
	[dreg:$0x2] =	wrdreg s3  }
0xa9: {  	[dreg:$0x3] =	wrdreg s5  }
0xaa: {  	[dreg:$0x4] =	wrdreg $0xC0  }
0xab: {  	_ =	task [dreg:s7], $0x5FFFF  }
0xac: {  	[dreg:$0x1] =	wrdreg $0xFFFFFFFF  }
0xad: {  	[dreg:$0x0] =	wrdreg $0x60  }
0xae: {  	[dreg:$0x2] =	wrdreg s2  }
0xaf: {  	[dreg:$0x3] =	wrdreg s24  }
0xb0: {  	[dreg:$0x4] =	wrdreg $0x0  }
0xb1: {  	[dreg:$0x5] =	wrdreg $0x9  }
0xb2: {  	_ =	task.clear_ibuf [dreg:s7], $0x6FFFF;
	_ =	strace $0x9000004C  }
0xb3: {  	s29 =	simm.s32 $0x9;
	_ =	strace $0x8000004E  }
0xb4: {  	_ =	swait.ge [sflag:s29], $0x1  }
0xb5: {  	[sflag:s29] =	ssyncadd.s32 $0xFFFFFFFF  }
0xb6: {  	_ =	strace $0x9000004E  }
0xb7: {  	_ =	sfence  }
0xb8: {  	s30 =	sld [smem:$0x0];
	_ =	sdelay $0x2  }
0xb9: {  	s31 =	sshll.u32 s1, $0xD;
	s1 =	sshrl.u32 s1, $0x2  }
0xba: {  	s3 =	sand.u32 $0x4000, s31;
	s1 =	sadd.s32 s1, s30  }
0xbb: {  	s0 =	sor.u32 s3, s0;
	s1 =	sshll.u32 s1, $0x11  }
0xbc: {  	s0 =	sor.u32 s1, s0  }
0xbd: {  	s0 =	sadd.s32 $0x8F2B, s0  }
0xbe: {  	[sflag:s0] =	ssyncadd.remote.s32 $0x1  }
0xbf: {  	_ =	sfence.sel $0xFFFF  }
0xc0: {  	[dreg:$0x0] =	wrdreg $0xFFFFFFFF;
	(pc) =	sbr.abs _section_cstart, $3  }
0xc1: {  	[dreg:$0x1] =	wrdreg $0xFFFFFFFF  }
0xc2: {  	_ =	task.clear_ibuf [dreg:s7], $0x2FFFF;
	_ =	strace $0x9FFFFFFF  }
0xc3: {  	(tm) =	ssettm $0x7FFFFFFF  }
tec
execute0_lowered:
.L_overlay_start_1:
0x0: {  	(tag) =	ssettag $0x1  }
0x1: {  	s1 =	rddreg [dreg:$0x0]  }
0x2: {  	s0 =	srdreg.scid;
	s2 =	rddreg [dreg:$0x1]  }
0x3: {  	s13 =	stileid.u32;
	s3 =	rddreg [dreg:$0x2]  }
0x4: {  	s19 =	simm.s32 $0x19000;
	s20 =	simm.s32 $0x3;
	s22 =	simm.s32 $0x14000  }
0x5: {  	s23 =	simm.s32 $0x50;
	s25 =	simm.s32 $0x16800;
	s28 =	simm.s32 $0x2  }
0x6: {  	s30 =	simm.s32 $0x1B6C0;
	s31 =	simm.s32 $0x1F500;
	s8 =	smul.u32 $0x50000, s13  }
0x7: {  	s0 =	sand.u32 $0x1, s0;
	s7 =	sshll.u32 s13, $0x7;
	s16 =	smul.u32 $0x2800, s13  }
0x8: {  	s4 =	sshll.u32 s0, $0x4;
	s7 =	sand.u32 $0x380, s7;
	s26 =	ssub.s32 $0x2, s0  }
0x9: {  	p0 =	seq.s32 s0, $0x1;
	s0 =	simm.s32 $0x45600;
	s5 =	sor.u32 s13, s4  }
0xa: {  	s4 =	simm.s32 $0x0;
	s9 =	sshrl.u32 s26, $0x1;
	s29 =	sshrl.u32 s8, $0x2  }
0xb: {  	s0 =	simm.s32 @!p0 $0x1D600;
	s6 =	sshrl.u32 s5, $0x3;
	[smem:$0x7FF] =	sst s4  }
0xc: {  	s5 =	sshll.u32 s5, $0xB;
	s15 =	ssub.s32 s26, s9;
	s0 =	sadd.s32 s0, s2  }
0xd: {  	s26 =	simm.s32 $0x1;
	s6 =	smul.u32 $0x13C00, s6;
	_ =	strace $0x8000004D  }
0xe: {  	s10 =	sadd.s32 s5, s2;
	s15 =	smax.u32 s15, $0x1;
	s16 =	sadd.s32 s0, s16  }
0xf: {  	s0 =	simm.s32 $0x0;
	s6 =	sor.u32 s7, s6;
	s7 =	sadd.s32 s29, s3  }
0x10: {  	s6 =	sshrl.u32 s6, $0x3;
	s8 =	sadd.s32 $0x2800, s7;
	s9 =	sadd.s32 $0x5000, s7  }
0x11: {  	s11 =	sadd.s32 $0xA000, s7;
	s12 =	sadd.s32 $0xC800, s7;
	s13 =	sadd.s32 $0xF000, s7  }
0x12: {  	s14 =	sadd.s32 $0x11800, s7;
	s6 =	sadd.s32 s6, s2;
	s2 =	simm.s32 $0x1F580  }
0x13: {  	v0 =	vimm.f32 $0.0e+00;
	s5 =	sadd.s32 $0x13800, s6;
	s6 =	sadd.s32 $0x3200, s10;
	s10 =	sadd.s32 $0x7800, s7  }
.LBB2_1:
0x14: {  	s17 =	simm.s32 $0x80;
	s18 =	simm.s32 $0x400  }
0x15: {  	[tilespmem:s19], [sflag:$0x3] =	stream.strided.gather [hbm4b:s5+s17], $0x2780, s18, s17, $0x38;
	[tilespmem:$0x1F780] =	vst v63  }
0x16: {  	_ =	swait.ge [sflag:s20], $0x2780  }
0x17: {  	[sflag:s20] =	ssyncset.done $0x0  }
0x18: {  	s21 =	simm.s32 $0x1B780;
	[sflag:s20] =	ssyncadd.s32 $0xFFFFD880  }
0x19: {  	[tilespmem:s21], [sflag:$0x3] =	stream.linear.gather [hbm4b:s6+s4], $0x3E80, $0x38;
	[tilespmem:$0x1F780] =	vst v63  }
0x1a: {  	s24 =	sand.u32 $0xFE00, s4;
	s29 =	sand.u32 $0x70, s4;
	_ =	swait.ge [sflag:s20], $0x3E80  }
0x1b: {  	s17 =	simm.s32 $0x40;
	s21 =	sshrl.u32 s24, $0x2;
	[sflag:s20] =	ssyncset.done $0x0  }
0x1c: {  	s18 =	simm.s32 $0x0;
	s21 =	sor.u32 s29, s21;
	[sflag:s20] =	ssyncadd.s32 $0xFFFFC180  }
.LBB2_2:
0x1d: {  	p0 =	sne.s32 s17, $0x9FC0  }
0x1e: {  	[tilespmem:s21+$0x14000] =	vst v0;
	s18 =	sadd.s32 $0x10, s18;
	s21 =	smov.u32 s17;
	s17 =	sadd.s32 $0x40, s17  }
.Ltmp0:
0x1f: {  	(pc) =	sbr.rel @p0 .LBB2_2-.Ltmp0, $4  }
0x20: {  	_ = 	snop  }
0x21: {  	s21 =	sand.u32 $0xFE00, s21  }
0x22: {  	s24 =	sand.u32 $0x70, s18;
	s21 =	sshrl.u32 s21, $0x2  }
0x23: {  	s21 =	sor.u32 s24, s21  }
0x24: {  	[tilespmem:s21+$0x14000] =	vst v0  }
0x25: {  	[spmem:s7] =	stream.linear.scatter [tilespmem:s22], [sflag:$0x3], $0x2800, $0x38;
	[tilespmem:$0x1F780] =	vst v63  }
0x26: {  	_ =	swait.ge [sflag:s20], $0x2800  }
0x27: {  	[sflag:s20] =	ssyncset.done $0x0  }
0x28: {  	[sflag:s20] =	ssyncadd.s32 $0xFFFFD800  }
0x29: {  	[spmem:s8] =	stream.linear.scatter [tilespmem:s22], [sflag:$0x3], $0x2800, $0x38;
	[tilespmem:$0x1F780] =	vst v63  }
0x2a: {  	_ =	swait.ge [sflag:s20], $0x2800  }
0x2b: {  	[sflag:s20] =	ssyncset.done $0x0  }
0x2c: {  	[sflag:s20] =	ssyncadd.s32 $0xFFFFD800  }
0x2d: {  	[spmem:s9] =	stream.linear.scatter [tilespmem:s22], [sflag:$0x3], $0x2800, $0x38;
	[tilespmem:$0x1F780] =	vst v63  }
0x2e: {  	_ =	swait.ge [sflag:s20], $0x2800  }
0x2f: {  	[sflag:s20] =	ssyncset.done $0x0  }
0x30: {  	[sflag:s20] =	ssyncadd.s32 $0xFFFFD800  }
0x31: {  	[spmem:s10] =	stream.linear.scatter [tilespmem:s22], [sflag:$0x3], $0x2800, $0x38;
	[tilespmem:$0x1F780] =	vst v63  }
0x32: {  	_ =	swait.ge [sflag:s20], $0x2800  }
0x33: {  	[sflag:s20] =	ssyncset.done $0x0  }
0x34: {  	[sflag:s20] =	ssyncadd.s32 $0xFFFFD800  }
0x35: {  	[spmem:s11] =	stream.linear.scatter [tilespmem:s22], [sflag:$0x3], $0x2800, $0x38;
	[tilespmem:$0x1F780] =	vst v63  }
0x36: {  	_ =	swait.ge [sflag:s20], $0x2800  }
0x37: {  	[sflag:s20] =	ssyncset.done $0x0  }
0x38: {  	[sflag:s20] =	ssyncadd.s32 $0xFFFFD800  }
0x39: {  	[spmem:s12] =	stream.linear.scatter [tilespmem:s22], [sflag:$0x3], $0x2800, $0x38;
	[tilespmem:$0x1F780] =	vst v63  }
0x3a: {  	_ =	swait.ge [sflag:s20], $0x2800  }
0x3b: {  	[sflag:s20] =	ssyncset.done $0x0  }
0x3c: {  	[sflag:s20] =	ssyncadd.s32 $0xFFFFD800  }
0x3d: {  	[spmem:s13] =	stream.linear.scatter [tilespmem:s22], [sflag:$0x3], $0x2800, $0x38;
	[tilespmem:$0x1F780] =	vst v63  }
0x3e: {  	_ =	swait.ge [sflag:s20], $0x2800  }
0x3f: {  	[sflag:s20] =	ssyncset.done $0x0  }
0x40: {  	[sflag:s20] =	ssyncadd.s32 $0xFFFFD800  }
0x41: {  	[spmem:s14] =	stream.linear.scatter [tilespmem:s22], [sflag:$0x3], $0x2800, $0x38;
	[tilespmem:$0x1F780] =	vst v63  }
0x42: {  	_ =	swait.ge [sflag:s20], $0x2800  }
0x43: {  	[sflag:s20] =	ssyncset.done $0x0  }
0x44: {  	[sflag:s20] =	ssyncadd.s32 $0xFFFFD800  }
0x45: {  	[bflag:$0x0] =	sbarrier.arrive $0xFFFF  }
0x46: {  	[tilespmem:s22], [sflag:$0x1] =	stream.indirect.gather [hbm4b:s1+s23], $0x80, s19, s23, $0xb8;
	[tilespmem:$0x1F780] =	vst v63  }
0x47: {  	s17 =	simm.s32 $0x19050  }
0x48: {  	[tilespmem:s25], [sflag:$0x2] =	stream.indirect.gather [hbm4b:s1+s23], $0x80, s17, s23, $0xb8;
	[tilespmem:$0x1F780] =	vst v63  }
0x49: {  	_ =	swait.ge [sflag:s26], $0x2800  }
0x4a: {  	[sflag:s26] =	ssyncset.done $0x0  }
0x4b: {  	s21 =	simm.s32 $0x1B780;
	[sflag:s26] =	ssyncadd.s32 $0xFFFFD800  }
0x4c: {  	[spmem:s3] =	stream.indirect.scatter.add.f32 [tilespmem:s22], [sflag:$0x3], $0x80, s21, s23, $0xb8;
	[tilespmem:$0x1F780] =	vst v63  }
0x4d: {  	_ =	swait.ge [sflag:s20], $0x2800  }
0x4e: {  	[sflag:s20] =	ssyncset.done $0x0  }
0x4f: {  	s24 =	simm.s32 $0x190A0;
	[sflag:s20] =	ssyncadd.s32 $0xFFFFD800  }
0x50: {  	[tilespmem:s22], [sflag:$0x1] =	stream.indirect.gather [hbm4b:s1+s23], $0x80, s24, s23, $0xb8;
	[tilespmem:$0x1F780] =	vst v63  }
0x51: {  	_ =	swait.ge [sflag:s28], $0x2800  }
0x52: {  	[sflag:s28] =	ssyncset.done $0x0  }
0x53: {  	s29 =	simm.s32 $0x1B800;
	[sflag:s28] =	ssyncadd.s32 $0xFFFFD800  }
0x54: {  	[spmem:s3] =	stream.indirect.scatter.add.f32 [tilespmem:s25], [sflag:$0x3], $0x80, s29, s23, $0xb8;
	[tilespmem:$0x1F780] =	vst v63  }
0x55: {  	_ =	swait.ge [sflag:s20], $0x2800  }
0x56: {  	s18 =	simm.s32 $0x400;
	[sflag:s20] =	ssyncset.done $0x0  }
0x57: {  	s17 =	simm.s32 $0x190F0;
	s21 =	simm.s32 $0x19190;
	[sflag:s20] =	ssyncadd.s32 $0xFFFFD800  }
.LBB2_4:
0x58: {  	[tilespmem:s25], [sflag:$0x2] =	stream.indirect.gather [hbm4b:s1+s23], $0x80, s17, s23, $0xb8;
	[tilespmem:$0x1F780] =	vst v63  }
0x59: {  	s24 =	smov.u32 s18;
	s17 =	smov.u32 s21  }
0x5a: {  	p0 =	sne.s32 s18, $0xF000;
	s18 =	sadd.s32 $0x400, s18;
	_ =	swait.ge [sflag:s26], $0x2800  }
0x5b: {  	s24 =	sshra.s32 s24, $0x2;
	[sflag:s26] =	ssyncset.done $0x0  }
0x5c: {  	s29 =	sadd.s32 $0x1B780, s24;
	[sflag:s26] =	ssyncadd.s32 $0xFFFFD800  }
0x5d: {  	[spmem:s3] =	stream.indirect.scatter.add.f32 [tilespmem:s22], [sflag:$0x3], $0x80, s29, s23, $0xb8;
	[tilespmem:$0x1F780] =	vst v63  }
0x5e: {  	_ =	swait.ge [sflag:s20], $0x2800  }
0x5f: {  	[sflag:s20] =	ssyncset.done $0x0  }
0x60: {  	s29 =	sadd.s32 $0xFFFFFFB0, s21;
	[sflag:s20] =	ssyncadd.s32 $0xFFFFD800  }
0x61: {  	[tilespmem:s22], [sflag:$0x1] =	stream.indirect.gather [hbm4b:s1+s23], $0x80, s29, s23, $0xb8;
	[tilespmem:$0x1F780] =	vst v63  }
0x62: {  	_ =	swait.ge [sflag:s28], $0x2800  }
0x63: {  	[sflag:s28] =	ssyncset.done $0x0  }
.Ltmp1:
0x64: {  	s24 =	sadd.s32 $0x1B800, s24;
	[sflag:s28] =	ssyncadd.s32 $0xFFFFD800;
	(pc) =	sbr.rel @p0 .LBB2_4-.Ltmp1, $4  }
0x65: {  	[spmem:s3] =	stream.indirect.scatter.add.f32 [tilespmem:s25], [sflag:$0x3], $0x80, s24, s23, $0xb8;
	[tilespmem:$0x1F780] =	vst v63  }
0x66: {  	_ =	swait.ge [sflag:s20], $0x2800  }
0x67: {  	[sflag:s20] =	ssyncset.done $0x0  }
0x68: {  	s21 =	sadd.s32 $0xA0, s21;
	[sflag:s20] =	ssyncadd.s32 $0xFFFFD800  }
0x69: {  	[tilespmem:s25], [sflag:$0x2] =	stream.indirect.gather [hbm4b:s1+s23], $0x80, s17, s23, $0xb8;
	[tilespmem:$0x1F780] =	vst v63  }
0x6a: {  	_ =	swait.ge [sflag:s26], $0x2800  }
0x6b: {  	[sflag:s26] =	ssyncset.done $0x0  }
0x6c: {  	s24 =	simm.s32 $0x1F480;
	[sflag:s26] =	ssyncadd.s32 $0xFFFFD800  }
0x6d: {  	[spmem:s3] =	stream.indirect.scatter.add.f32 [tilespmem:s22], [sflag:$0x3], $0x80, s24, s23, $0xb8;
	[tilespmem:$0x1F780] =	vst v63  }
0x6e: {  	_ =	swait.ge [sflag:s20], $0x2800  }
0x6f: {  	[sflag:s20] =	ssyncset.done $0x0  }
0x70: {  	[sflag:s20] =	ssyncadd.s32 $0xFFFFD800  }
0x71: {  	[tilespmem:s22], [sflag:$0x1] =	stream.indirect.gather [hbm4b:s1+s23], $0x80, s30, s23, $0xb8;
	[tilespmem:$0x1F780] =	vst v63  }
0x72: {  	_ =	swait.ge [sflag:s28], $0x2800  }
0x73: {  	[sflag:s28] =	ssyncset.done $0x0  }
0x74: {  	[sflag:s28] =	ssyncadd.s32 $0xFFFFD800  }
0x75: {  	[spmem:s3] =	stream.indirect.scatter.add.f32 [tilespmem:s25], [sflag:$0x3], $0x80, s31, s23, $0xb8;
	[tilespmem:$0x1F780] =	vst v63  }
0x76: {  	_ =	swait.ge [sflag:s20], $0x2800  }
0x77: {  	[sflag:s20] =	ssyncset.done $0x0  }
0x78: {  	[sflag:s20] =	ssyncadd.s32 $0xFFFFD800  }
0x79: {  	_ =	swait.ge [sflag:s26], $0x2800  }
0x7a: {  	[sflag:s26] =	ssyncset.done $0x0  }
0x7b: {  	[sflag:s26] =	ssyncadd.s32 $0xFFFFD800  }
0x7c: {  	[spmem:s3] =	stream.indirect.scatter.add.f32 [tilespmem:s22], [sflag:$0x3], $0x80, s2, s23, $0xb8;
	[tilespmem:$0x1F780] =	vst v63  }
0x7d: {  	s29 =	stileid.u32;
	_ =	swait.ge [sflag:s20], $0x2800  }
0x7e: {  	s18 =	sshrl.u32 s7, $0x3;
	s0 =	sadd.s32 $0x1, s0;
	[sflag:s20] =	ssyncset.done $0x0  }
0x7f: {  	s17 =	sshll.u32 s29, $0x6;
	p0 =	sne.s32 s0, s15;
	[sflag:s20] =	ssyncadd.s32 $0xFFFFD800  }
.Ltmp2:
0x80: {  	s17 =	sor.u32 $0x1C03, s17;
	[bflag:$0x0] =	sbarrier.arrive $0xFFFF;
	(pc) =	sbr.rel @p0 .LBB2_1-.Ltmp2, $4  }
0x81: {  	[hbm:s16], [sflag:s17] =	dma.local [spmem:s18], $0x2800  }
0x82: {  	_ =	swait.ge [sflag:s20], $0x2800  }
0x83: {  	[sflag:s20] =	ssyncset.done $0x0  }
0x84: {  	[sflag:s20] =	ssyncadd.s32 $0xFFFFD800  }
0x85: {  	_ =	sfence.sel $0x180000  }
0x86: {  	[bflag:$0x0] =	sbarrier.arrive $0xFFFF  }
0x87: {  	_ =	strace $0x9000004D  }
0x88: {  	s0 =	stileid.u32;
	[bflag:$0x2] =	sbarrier.arrive $0xFFFF  }
0x89: {  	p0 =	sne.s32 s0, $0x0;
	s0 =	rddreg [dreg:$0x3]  }
0x8a: {  	s0 =	sadd.s32 @!p0 $0x100000, s0  }
0x8b: {  	[sflag:s0] =	ssyncadd.tile.s32 @!p0 $0x1;
	_ =	shalt  }
.Lfunc_end2:
_tile_overlayer_lowered:
.L_overlay_start_2:
0x8c: {  	(tag) =	ssettag $0x2  }
0x8d: {  	s0 =	rddreg [dreg:$0x0];
	s2 =	stileid.u32  }
0x8e: {  	s1 =	rddreg [dreg:$0x1];
	p0 =	sne.s32 s2, $0x0  }
0x8f: {  	s3 =	rddreg [dreg:$0x2];
	[bflag:$0x3] =	sbarrier.arrive $0xFFFF;
	s2 =	simm.s32 @!p0 $0x1C03  }
0x90: {  	[timem:s3], [sflag:s2] =	dma.local @!p0 [hbm:s0], s1  }
0x91: {  	s0 =	simm.s32 @!p0 $0x3  }
0x92: {  	_ =	swait.ge @!p0 [sflag:s0], s1  }
0x93: {  	s1 =	ssub.s32 @!p0 $0x0, s1;
	[sflag:s0] =	ssyncset.done @!p0 $0x0  }
0x94: {  	[sflag:s0] =	ssyncadd.s32 @!p0 s1  }
0x95: {  	[bflag:$0x3] =	sbarrier.arrive $0xFFFF  }
0x96: {  	_ =	shalt  }

// kernel: kernel.8.cloned.1.call-start
scs
__scs_entry_jumppad:
0x0: {  	(pc) =	sbr.rel $0x88, $3  }
0x1: {  	(tag) =	ssettag $0x0;
	lr =	simm.s32 $0x1  }
0x2: {  	[smem:$0x3F9B] =	sst lr;
	_ =	strace $0xD0000000  }
0x3: {  	_ = 	snop  }
0x4: {  	_ = 	snop  }
0x5: {  	_ = 	snop  }
0x6: {  	_ = 	snop  }
0x7: {  	_ = 	snop  }
__scs_overlays_trampoline_lowered:
0x8: {  	[smem:$0x3FAA] =	sst s0  }
0x9: {  	[smem:$0x3FAB] =	sst s1  }
0xa: {  	[smem:$0x3FAC] =	sst s2  }
0xb: {  	[smem:$0x3FAD] =	sst s3  }
0xc: {  	[smem:$0x3FAE] =	sst s4  }
0xd: {  	[smem:$0x3FAF] =	sst s5  }
0xe: {  	[smem:$0x3FB0] =	sst s6  }
0xf: {  	[smem:$0x3FB1] =	sst s7  }
0x10: {  	[smem:$0x3FB2] =	sst s8  }
0x11: {  	[smem:$0x3FB3] =	sst s9;
	s0 =	simm.s32 @!p0 $0x0  }
0x12: {  	s1 =	sld [smem:$0x3F99];
	s0 =	simm.s32 @p0 $0x1  }
0x13: {  	[smem:$0x3FB4] =	sst s0;
	s0 =	simm.s32 @!p1 $0x0  }
0x14: {  	s2 =	sld [smem:$0x3F98];
	s0 =	simm.s32 @p1 $0x1  }
0x15: {  	[smem:$0x3FB5] =	sst s0;
	s0 =	simm.s32 @!p2 $0x0  }
0x16: {  	s3 =	sld [smem:$0x3FDB];
	s0 =	simm.s32 @p2 $0x1  }
0x17: {  	s4 =	simm.s32 $0x1BF5;
	[smem:$0x3FB7] =	sst s0  }
0x18: {  	s0 =	sld [smem:$0x3F9A];
	_ =	swait.ge [sflag:s4], $0x0  }
0x19: {  	s7 =	sld [smem:$0x3F9B]  }
0x1a: {  	s8 =	sadd.s32 $0xFFFFE003, lr  }
0x1b: {  	s9 =	sadd.s32 $0xFFFFFEF7, lr;
	s5 =	simm.s32 $0xFFFFFFFF;
	p2 =	slt.u32 s8, $0xFFFFF086  }
0x1c: {  	p1 =	slt.u32 s9, $0xF7A;
	s5 =	simm.s32 @!p2 $0x0  }
0x1d: {  	s5 =	simm.s32 @p1 $0x1;
	p0 =	seq.s32 s7, s2  }
0x1e: {  	s7 =	smul.u32 @!p0 $0xF7A, s2;
	p2 =	seq.s32 @!p0 s5, $0x0  }
0x1f: {  	s9 =	smul.u32 $0xF7A, s1;
	s8 =	simm.s32 @!p0 $0x1BF5;
	p2 =	por !p2, p0  }
0x20: {  	[sflag:s8] =	ssyncset.s32 @!p0 $0xFFFFF086;
	s6 =	sadd.s32 @!p0 s3, s7;
	s7 =	simm.s32 @!p0 $0x108  }
0x21: {  	s3 =	sadd.s32 s3, s9;
	s6 =	sadd.s32 @!p0 $0x88, s6;
	s7 =	simm.s32 @p2 $0x1082  }
0x22: {  	[simem:s7], [sflag:s8] =	dma.local @!p0 [hbm:s6], $0xF7A  }
0x23: {  	s9 =	sor.u32 $0xD0000000, s2;
	s6 =	simm.s32 $0x108;
	_ =	swait.ge @!p0 [sflag:s8], $0x0  }
0x24: {  	s3 =	sadd.s32 $0x88, s3;
	s6 =	simm.s32 @!p1 $0x1082;
	[sflag:s4] =	ssyncset.s32 $0xFFFFF086  }
0x25: {  	[simem:s6], [sflag:s4] =	dma.local [hbm:s3], $0xF7A  }
0x26: {  	[smem:$0x3F9B] =	sst s1;
	(tag) =	ssettag s2;
	_ =	strace s9  }
0x27: {  	s1 =	sld [smem:$0x3FAB]  }
0x28: {  	s2 =	sld [smem:$0x3FAC]  }
0x29: {  	s4 =	sld [smem:$0x3FAE]  }
0x2a: {  	p0 =	seq.s32 s5, $0x0;
	s5 =	sld [smem:$0x3FAF]  }
0x2b: {  	s6 =	sld [smem:$0x3FB0]  }
0x2c: {  	s7 =	sld [smem:$0x3FB1]  }
0x2d: {  	s3 =	simm.s32 $0x108;
	s8 =	sld [smem:$0x3FB2]  }
0x2e: {  	s3 =	simm.s32 @!p0 $0x1082;
	s9 =	sld [smem:$0x3FB3]  }
0x2f: {  	lr =	sadd.s32 s0, s3;
	s0 =	sld [smem:$0x3FAA]  }
0x30: {  	s3 =	sld [smem:$0x3FAD]  }
0x31: {  	[smem:$0x3FB6] =	sst s10  }
0x32: {  	s10 =	sld [smem:$0x3FB4];
	_ =	sdelay $0x3  }
0x33: {  	p0 =	seq.s32 s10, $0x1;
	s10 =	sld [smem:$0x3FB6];
	_ =	sdelay $0x3  }
0x34: {  	[smem:$0x3FB6] =	sst s10  }
0x35: {  	s10 =	sld [smem:$0x3FB5];
	_ =	sdelay $0x3  }
0x36: {  	p1 =	seq.s32 s10, $0x1;
	s10 =	sld [smem:$0x3FB6];
	_ =	sdelay $0x3  }
0x37: {  	[smem:$0x3FB6] =	sst s10  }
0x38: {  	s10 =	sld [smem:$0x3FB7]  }
0x39: {  	_ = 	snop;
	(pc) =	sbr.ind lr, $3  }
0x3a: {  	_ = 	snop  }
0x3b: {  	_ = 	snop  }
0x3c: {  	p2 =	seq.s32 s10, $0x1;
	s10 =	sld [smem:$0x3FB6]  }
0x3d: {  	_ =	shalt  }
0x3e: {  	_ =	shalt  }
0x3f: {  	_ =	shalt  }
0x40: {  	_ =	shalt  }
0x41: {  	_ =	shalt  }
0x42: {  	_ =	shalt  }
0x43: {  	_ =	shalt  }
0x44: {  	_ =	shalt  }
0x45: {  	_ =	shalt  }
0x46: {  	_ =	shalt  }
0x47: {  	_ =	shalt  }
0x48: {  	_ =	shalt  }
0x49: {  	_ =	shalt  }
0x4a: {  	_ =	shalt  }
0x4b: {  	_ =	shalt  }
0x4c: {  	_ =	shalt  }
0x4d: {  	_ =	shalt  }
0x4e: {  	_ =	shalt  }
0x4f: {  	_ =	shalt  }
0x50: {  	_ =	shalt  }
0x51: {  	_ =	shalt  }
0x52: {  	_ =	shalt  }
0x53: {  	_ =	shalt  }
0x54: {  	_ =	shalt  }
0x55: {  	_ =	shalt  }
0x56: {  	_ =	shalt  }
0x57: {  	_ =	shalt  }
0x58: {  	_ =	shalt  }
0x59: {  	_ =	shalt  }
0x5a: {  	_ =	shalt  }
0x5b: {  	_ =	shalt  }
0x5c: {  	_ =	shalt  }
0x5d: {  	_ =	shalt  }
0x5e: {  	_ =	shalt  }
0x5f: {  	_ =	shalt  }
0x60: {  	_ =	shalt  }
0x61: {  	_ =	shalt  }
0x62: {  	_ =	shalt  }
0x63: {  	_ =	shalt  }
0x64: {  	_ =	shalt  }
0x65: {  	_ =	shalt  }
0x66: {  	_ =	shalt  }
0x67: {  	_ =	shalt  }
0x68: {  	_ =	shalt  }
0x69: {  	_ =	shalt  }
0x6a: {  	_ =	shalt  }
0x6b: {  	_ =	shalt  }
0x6c: {  	_ =	shalt  }
0x6d: {  	_ =	shalt  }
0x6e: {  	_ =	shalt  }
0x6f: {  	_ =	shalt  }
0x70: {  	_ =	shalt  }
0x71: {  	_ =	shalt  }
0x72: {  	_ =	shalt  }
0x73: {  	_ =	shalt  }
0x74: {  	_ =	shalt  }
0x75: {  	_ =	shalt  }
0x76: {  	_ =	shalt  }
0x77: {  	_ =	shalt  }
0x78: {  	_ =	shalt  }
0x79: {  	_ =	shalt  }
0x7a: {  	_ =	shalt  }
0x7b: {  	_ =	shalt  }
0x7c: {  	_ =	shalt  }
0x7d: {  	_ =	shalt  }
0x7e: {  	_ =	shalt  }
0x7f: {  	_ =	shalt  }
0x80: {  	_ =	shalt  }
0x81: {  	_ =	shalt  }
0x82: {  	_ =	shalt  }
0x83: {  	_ =	shalt  }
0x84: {  	_ =	shalt  }
0x85: {  	_ =	shalt  }
0x86: {  	_ =	shalt  }
0x87: {  	_ =	shalt  }
.Lfunc_end0:
.L_simem_size_0:
called_computation_lowered:
.L_overlay_start_0:
0x88: {  	s2 =	sld [smem:$0x3FD9]  }
0x89: {  	s3 =	sld [smem:$0x3FFE];
	_ =	sdelay $0x1  }
0x8a: {  	s1 =	srdreg.scid  }
0x8b: {  	s0 =	sand.u32 $0x1, s1  }
0x8c: {  	s17 =	sshll.u32 s0, $0xA;
	s2 =	sadd.s32 s3, s2  }
0x8d: {  	s2 =	sadd.s32 s2, s17  }
0x8e: {  	[smem:$0x3FC2] =	sst s2  }
0x8f: {  	_ = 	snop  }
0x90: {  	s2 =	sld [smem:$0x3FD0];
	(tm) =	ssettm $0x1  }
0x91: {  	s18 =	sld [smem:$0x3FFB];
	_ =	sdelay $0x3  }
0x92: {  	_ =	strace s18  }
0x93: {  	s3 =	sld [smem:$0x3FFC];
	_ =	sdelay $0x3  }
0x94: {  	_ =	strace s3  }
0x95: {  	s3 =	sld [smem:$0x3FFD];
	_ =	sdelay $0x3  }
0x96: {  	_ =	strace s3  }
0x97: {  	_ =	strace $0x8FFFFFFF  }
0x98: {  	s19 =	sld [smem:$0x3FDB];
	_ =	sdelay $0x1  }
0x99: {  	s4 =	simm.s32 $_scs_section_size  }
0x9a: {  	s5 =	simm.s32 $_size__tile_overlayer_lowered;
	s6 =	simm.s32 $_tile_overlayer_lowered  }
0x9b: {  	s22 =	simm.s32 $0x1BFF;
	s21 =	sshll.u32 s6, $0x1;
	s3 =	sadd.s32 s4, s19  }
0x9c: {  	s7 =	simm.s32 $0x0;
	s20 =	sshll.u32 s5, $0x1;
	s5 =	sadd.s32 s21, s3  }
0x9d: {  	[timem:s7], [sflag:s22] =	dma.local [hbm:s5], s20  }
0x9e: {  	_ =	swait.ge [sflag:s22], s20  }
0x9f: {  	s4 =	ssub.s32 $0x0, s20;
	[sflag:s22] =	ssyncset.done $0x0  }
0xa0: {  	[sflag:s22] =	ssyncadd.s32 s4;
	_ =	sdelay $0x1  }
0xa1: {  	s23 =	simm.s32 $0x1B8B  }
0xa2: {  	_ =	swait.ge [sflag:s23], $0x1  }
0xa3: {  	[sflag:s23] =	ssyncset.done $0x0  }
0xa4: {  	s25 =	simm.s32 $0x1B8E;
	s24 =	sld [smem:$0x3FFE];
	[sflag:s23] =	ssyncadd.s32 $0xFFFFFFFF  }
0xa5: {  	s26 =	simm.s32 $execute0_lowered;
	[smem:$0x3FD2] =	sst s25  }
0xa6: {  	s5 =	sshll.u32 s26, $0x1;
	_ =	strace $0x80000046;
	[dreg:$0x1] =	wrdreg $0xFFFFFFFF  }
0xa7: {  	s28 =	simm.s32 $_size_execute0_lowered;
	s3 =	sadd.s32 s3, s5;
	[dreg:$0x0] =	wrdreg $0x0  }
0xa8: {  	s5 =	sshll.u32 s28, $0x1;
	[dreg:$0x2] =	wrdreg s3  }
0xa9: {  	[dreg:$0x3] =	wrdreg s5  }
0xaa: {  	[dreg:$0x4] =	wrdreg $0xC0  }
0xab: {  	_ =	task [dreg:s7], $0x5FFFF  }
0xac: {  	[dreg:$0x1] =	wrdreg $0xFFFFFFFF  }
0xad: {  	[dreg:$0x0] =	wrdreg $0x60  }
0xae: {  	[dreg:$0x2] =	wrdreg s24  }
0xaf: {  	[dreg:$0x3] =	wrdreg s2  }
0xb0: {  	[dreg:$0x4] =	wrdreg $0x0  }
0xb1: {  	[dreg:$0x5] =	wrdreg $0x9  }
0xb2: {  	_ =	task.clear_ibuf [dreg:s7], $0x6FFFF;
	_ =	strace $0x90000046  }
0xb3: {  	s29 =	simm.s32 $0x9;
	_ =	strace $0x80000048  }
0xb4: {  	_ =	swait.ge [sflag:s29], $0x1  }
0xb5: {  	[sflag:s29] =	ssyncadd.s32 $0xFFFFFFFF  }
0xb6: {  	_ =	strace $0x90000048  }
0xb7: {  	_ =	sfence  }
0xb8: {  	s30 =	sld [smem:$0x0];
	_ =	sdelay $0x2  }
0xb9: {  	s31 =	sshll.u32 s1, $0xD;
	s1 =	sshrl.u32 s1, $0x2  }
0xba: {  	s3 =	sand.u32 $0x4000, s31;
	s1 =	sadd.s32 s1, s30  }
0xbb: {  	s0 =	sor.u32 s3, s0;
	s1 =	sshll.u32 s1, $0x11  }
0xbc: {  	s0 =	sor.u32 s1, s0  }
0xbd: {  	s0 =	sadd.s32 $0x8F2B, s0  }
0xbe: {  	[sflag:s0] =	ssyncadd.remote.s32 $0x1  }
0xbf: {  	_ =	sfence.sel $0xFFFF  }
0xc0: {  	[dreg:$0x0] =	wrdreg $0xFFFFFFFF;
	(pc) =	sbr.abs _section_cstart, $3  }
0xc1: {  	[dreg:$0x1] =	wrdreg $0xFFFFFFFF  }
0xc2: {  	_ =	task.clear_ibuf [dreg:s7], $0x2FFFF;
	_ =	strace $0x9FFFFFFF  }
0xc3: {  	(tm) =	ssettm $0x7FFFFFFF  }
tec
execute0_lowered:
.L_overlay_start_1:
0x0: {  	(tag) =	ssettag $0x1  }
0x1: {  	s4 =	rddreg [dreg:$0x0]  }
0x2: {  	s7 =	rddreg [dreg:$0x1]  }
0x3: {  	s2 =	rddreg [dreg:$0x2]  }
0x4: {  	s0 =	rddreg [dreg:$0x3];
	s3 =	simm.s32 $0x0;
	s1 =	stileid.u32  }
0x5: {  	s6 =	srdreg.scid;
	s11 =	simm.s32 $0x50;
	s12 =	simm.s32 $0x4280  }
0x6: {  	s13 =	simm.s32 $0x300;
	s14 =	simm.s32 $0x1;
	s15 =	simm.s32 $0x2  }
0x7: {  	s16 =	simm.s32 $0x4080;
	s19 =	simm.s32 $0x0;
	[smem:$0x7FF] =	sst s3  }
0x8: {  	s5 =	sshll.u32 s1, $0xB;
	s6 =	sand.u32 $0x1, s6;
	s8 =	sadd.s32 $0x13200, s4  }
0x9: {  	s31 =	smul.u32 $0x280, s1;
	s17 =	sshll.u32 s1, $0x6;
	_ =	strace $0x80000047  }
0xa: {  	s5 =	sadd.s32 s5, s4;
	s30 =	ssub.s32 $0x2, s6;
	s9 =	sshll.u32 s6, $0xF  }
0xb: {  	p0 =	seq.s32 s6, $0x1;
	s17 =	sor.u32 $0x1C03, s17;
	s10 =	sshrl.u32 s30, $0x1  }
0xc: {  	s5 =	sadd.s32 s9, s5;
	s9 =	sshrl.u32 s31, $0x3;
	s7 =	smov.u32 @p0 s8  }
0xd: {  	s8 =	simm.s32 $0x280;
	s10 =	ssub.s32 s30, s10;
	s4 =	sadd.s32 $0x3200, s5  }
0xe: {  	s5 =	sadd.s32 s31, s2;
	s7 =	sadd.s32 s7, s9;
	s9 =	simm.s32 $0x3  }
0xf: {  	v0 =	vimm.f32 $0.0e+00;
	v1 =	vimm.f32 $1.000000000e+00;
	s6 =	smax.u32 s10, $0x1;
	s10 =	simm.s32 $0x4300;
	s18 =	sshrl.u32 s5, $0x3  }
.LBB2_1:
0x10: {  	[tilespmem:s8], [sflag:$0x3] =	stream.linear.gather [hbm4b:s4+s3], $0x3E80, $0x38;
	[tilespmem:$0x4580] =	vst v63  }
0x11: {  	_ =	swait.ge [sflag:s9], $0x3E80  }
0x12: {  	[sflag:s9] =	ssyncset.done $0x0  }
0x13: {  	[sflag:s9] =	ssyncadd.s32 $0xFFFFC180  }
0x14: {  	[tilespmem:$0x4300] =	vst v0  }
0x15: {  	[tilespmem:$0x4310] =	vst v0  }
0x16: {  	[tilespmem:$0x4320] =	vst v0  }
0x17: {  	[tilespmem:$0x4330] =	vst v0  }
0x18: {  	[tilespmem:$0x4340] =	vst v0  }
0x19: {  	[tilespmem:$0x4350] =	vst v0  }
0x1a: {  	[tilespmem:$0x4360] =	vst v0  }
0x1b: {  	[tilespmem:$0x4370] =	vst v0  }
0x1c: {  	[tilespmem:$0x4380] =	vst v0  }
0x1d: {  	[tilespmem:$0x4390] =	vst v0  }
0x1e: {  	[tilespmem:$0x43A0] =	vst v0  }
0x1f: {  	[tilespmem:$0x43B0] =	vst v0  }
0x20: {  	[tilespmem:$0x43C0] =	vst v0  }
0x21: {  	[tilespmem:$0x43D0] =	vst v0  }
0x22: {  	[tilespmem:$0x43E0] =	vst v0  }
0x23: {  	[tilespmem:$0x43F0] =	vst v0  }
0x24: {  	[tilespmem:$0x4400] =	vst v0  }
0x25: {  	[tilespmem:$0x4410] =	vst v0  }
0x26: {  	[tilespmem:$0x4420] =	vst v0  }
0x27: {  	[tilespmem:$0x4430] =	vst v0  }
0x28: {  	[tilespmem:$0x4440] =	vst v0  }
0x29: {  	[tilespmem:$0x4450] =	vst v0  }
0x2a: {  	[tilespmem:$0x4460] =	vst v0  }
0x2b: {  	[tilespmem:$0x4470] =	vst v0  }
0x2c: {  	[tilespmem:$0x4480] =	vst v0  }
0x2d: {  	[tilespmem:$0x4490] =	vst v0  }
0x2e: {  	[tilespmem:$0x44A0] =	vst v0  }
0x2f: {  	[tilespmem:$0x44B0] =	vst v0  }
0x30: {  	[tilespmem:$0x44C0] =	vst v0  }
0x31: {  	[tilespmem:$0x44D0] =	vst v0  }
0x32: {  	[tilespmem:$0x44E0] =	vst v0  }
0x33: {  	[tilespmem:$0x44F0] =	vst v0  }
0x34: {  	[tilespmem:$0x4500] =	vst v0  }
0x35: {  	[tilespmem:$0x4510] =	vst v0  }
0x36: {  	[tilespmem:$0x4520] =	vst v0  }
0x37: {  	[tilespmem:$0x4530] =	vst v0  }
0x38: {  	[tilespmem:$0x4540] =	vst v0  }
0x39: {  	[tilespmem:$0x4550] =	vst v0  }
0x3a: {  	[tilespmem:$0x4560] =	vst v0  }
0x3b: {  	[tilespmem:$0x4570] =	vst v0  }
0x3c: {  	[tilespmem:$0x4280] =	vst v1  }
0x3d: {  	[tilespmem:$0x4290] =	vst v1  }
0x3e: {  	[tilespmem:$0x42A0] =	vst v1  }
0x3f: {  	[tilespmem:$0x42B0] =	vst v1  }
0x40: {  	[tilespmem:$0x42C0] =	vst v1  }
0x41: {  	[spmem:s5] =	stream.linear.scatter [tilespmem:s10], [sflag:$0x3], $0x280, $0x38;
	[tilespmem:$0x4580] =	vst v63  }
0x42: {  	_ =	swait.ge [sflag:s9], $0x280  }
0x43: {  	[sflag:s9] =	ssyncset.done $0x0  }
0x44: {  	[sflag:s9] =	ssyncadd.s32 $0xFFFFFD80  }
0x45: {  	[bflag:$0x0] =	sbarrier.arrive $0xFFFF  }
0x46: {  	[spmem:s2] =	stream.indirect.scatter.add.f32 [tilespmem:s12], [sflag:$0x1], $0x1, s8, s11, $0xb8;
	[tilespmem:$0x4580] =	vst v63  }
0x47: {  	_ = 	snop  }
0x48: {  	[spmem:s2] =	stream.indirect.scatter.add.f32 [tilespmem:s12], [sflag:$0x2], $0x1, s13, s11, $0xb8;
	[tilespmem:$0x4580] =	vst v63  }
0x49: {  	_ =	swait.ge [sflag:s14], $0x50  }
0x4a: {  	[sflag:s14] =	ssyncset.done $0x0  }
0x4b: {  	s20 =	simm.s32 $0x380;
	[sflag:s14] =	ssyncadd.s32 $0xFFFFFFB0  }
0x4c: {  	[spmem:s2] =	stream.indirect.scatter.add.f32 [tilespmem:s12], [sflag:$0x1], $0x1, s20, s11, $0xb8;
	[tilespmem:$0x4580] =	vst v63  }
0x4d: {  	_ =	swait.ge [sflag:s15], $0x50  }
0x4e: {  	[sflag:s15] =	ssyncset.done $0x0  }
0x4f: {  	s21 =	simm.s32 $0x400;
	s20 =	simm.s32 $0xFFFF1000;
	[sflag:s15] =	ssyncadd.s32 $0xFFFFFFB0  }
.LBB2_2:
0x50: {  	[spmem:s2] =	stream.indirect.scatter.add.f32 [tilespmem:s12], [sflag:$0x2], $0x1, s21, s11, $0xb8;
	[tilespmem:$0x4580] =	vst v63  }
0x51: {  	s21 =	smov.u32 s20  }
0x52: {  	p0 =	sne.s32 s20, $0xFFFFFC00;
	s20 =	sadd.s32 $0x400, s20;
	_ =	swait.ge [sflag:s14], $0x50  }
0x53: {  	s21 =	sshra.s32 s21, $0x2;
	[sflag:s14] =	ssyncset.done $0x0  }
.Ltmp0:
0x54: {  	s22 =	sadd.s32 $0x4080, s21;
	[sflag:s14] =	ssyncadd.s32 $0xFFFFFFB0;
	(pc) =	sbr.rel @p0 .LBB2_2-.Ltmp0, $4  }
0x55: {  	[spmem:s2] =	stream.indirect.scatter.add.f32 [tilespmem:s12], [sflag:$0x1], $0x1, s22, s11, $0xb8;
	[tilespmem:$0x4580] =	vst v63  }
0x56: {  	_ =	swait.ge [sflag:s15], $0x50  }
0x57: {  	[sflag:s15] =	ssyncset.done $0x0  }
0x58: {  	s21 =	sadd.s32 $0x4100, s21;
	[sflag:s15] =	ssyncadd.s32 $0xFFFFFFB0  }
0x59: {  	[spmem:s2] =	stream.indirect.scatter.add.f32 [tilespmem:s12], [sflag:$0x2], $0x1, s21, s11, $0xb8;
	[tilespmem:$0x4580] =	vst v63  }
0x5a: {  	_ =	swait.ge [sflag:s14], $0x50  }
0x5b: {  	[sflag:s14] =	ssyncset.done $0x0  }
0x5c: {  	[sflag:s14] =	ssyncadd.s32 $0xFFFFFFB0  }
0x5d: {  	[spmem:s2] =	stream.indirect.scatter.add.f32 [tilespmem:s12], [sflag:$0x1], $0x1, s16, s11, $0xb8;
	[tilespmem:$0x4580] =	vst v63  }
0x5e: {  	_ =	swait.ge [sflag:s14], $0x50  }
0x5f: {  	[sflag:s14] =	ssyncset.done $0x0  }
0x60: {  	[sflag:s14] =	ssyncadd.s32 $0xFFFFFFB0  }
0x61: {  	_ =	swait.ge [sflag:s15], $0x50  }
0x62: {  	s19 =	sadd.s32 $0x1, s19;
	[sflag:s15] =	ssyncset.done $0x0  }
0x63: {  	p0 =	sne.s32 s19, s6;
	[sflag:s15] =	ssyncadd.s32 $0xFFFFFFB0  }
.Ltmp1:
0x64: {  	[bflag:$0x0] =	sbarrier.arrive $0xFFFF;
	(pc) =	sbr.rel @p0 .LBB2_1-.Ltmp1, $4  }
0x65: {  	[hbm:s7], [sflag:s17] =	dma.local [spmem:s18], $0x50  }
0x66: {  	_ =	swait.ge [sflag:s9], $0x50  }
0x67: {  	[sflag:s9] =	ssyncset.done $0x0  }
0x68: {  	[sflag:s9] =	ssyncadd.s32 $0xFFFFFFB0  }
0x69: {  	_ =	sfence.sel $0x180000  }
0x6a: {  	[bflag:$0x0] =	sbarrier.arrive $0xFFFF  }
0x6b: {  	p0 =	sne.s32 s1, $0x0;
	_ =	strace $0x90000047  }
0x6c: {  	s0 =	sadd.s32 @!p0 $0x100000, s0;
	[bflag:$0x2] =	sbarrier.arrive $0xFFFF  }
0x6d: {  	[sflag:s0] =	ssyncadd.tile.s32 @!p0 $0x1;
	_ =	shalt  }
.Lfunc_end2:
_tile_overlayer_lowered:
.L_overlay_start_2:
0x6e: {  	(tag) =	ssettag $0x2  }
0x6f: {  	s0 =	rddreg [dreg:$0x0];
	s2 =	stileid.u32  }
0x70: {  	s1 =	rddreg [dreg:$0x1];
	p0 =	sne.s32 s2, $0x0  }
0x71: {  	s3 =	rddreg [dreg:$0x2];
	[bflag:$0x3] =	sbarrier.arrive $0xFFFF;
	s2 =	simm.s32 @!p0 $0x1C03  }
0x72: {  	[timem:s3], [sflag:s2] =	dma.local @!p0 [hbm:s0], s1  }
0x73: {  	s0 =	simm.s32 @!p0 $0x3  }
0x74: {  	_ =	swait.ge @!p0 [sflag:s0], s1  }
0x75: {  	s1 =	ssub.s32 @!p0 $0x0, s1;
	[sflag:s0] =	ssyncset.done @!p0 $0x0  }
0x76: {  	[sflag:s0] =	ssyncadd.s32 @!p0 s1  }
0x77: {  	[bflag:$0x3] =	sbarrier.arrive $0xFFFF  }
0x78: {  	_ =	shalt  }

</sc_bundles>
